<compile_context>
chip_gen: v7x
topology: tpu7x:2x2x1
jax: 0.10.2.dev20260603
libtpu: 0.0.44.dev20260713+nightly
codegen_flags: <defaults>
</compile_context>

<pallas_src>
import jax
import jax.numpy as jnp
from jax import lax
from jax.experimental import pallas as pl
from jax.experimental.pallas import tpu as pltpu
from jax.experimental.pallas import tpu_sc as plsc

TOKENS = 16384
INPUT_DIM = 2048
NUM_EXPERTS = 16
K = 2
TILE = 1024

NC = 2
NS = 16
L = 16
NW = NC * NS
CHUNK = TOKENS // NW
GROUPS = CHUNK // L


def _softmax_t_body(x_ref, w_ref, b_ref, probs_ref):
    logits_t = lax.dot_general(
        w_ref[...], x_ref[...],
        dimension_numbers=(((1,), (1,)), ((), ())),
        preferred_element_type=jnp.float32) + b_ref[...]
    m = jnp.max(logits_t, axis=0, keepdims=True)
    e = jnp.exp(logits_t - m)
    probs_ref[...] = e / jnp.sum(e, axis=0, keepdims=True)


def _route_body(probs_hbm, wts_hbm, idx_hbm, mask_hbm,
                probs_v, wts_v, idx_v, mask_v):
    wid = lax.axis_index("s") * NC + lax.axis_index("c")
    base = wid * CHUNK
    pltpu.sync_copy(probs_hbm.at[:, pl.ds(base, CHUNK)], probs_v)

    def group(g, carry):
        off = g * L
        ps = [probs_v[e, pl.ds(off, L)] for e in range(NUM_EXPERTS)]
        evecs = [jnp.full((L,), e, jnp.int32) for e in range(NUM_EXPERTS)]
        m1 = ps[0]
        i1 = jnp.zeros((L,), jnp.int32)
        m2 = jnp.full((L,), -1.0, jnp.float32)
        i2 = jnp.zeros((L,), jnp.int32)
        for e in range(1, NUM_EXPERTS):
            pe = ps[e]
            gt1 = pe > m1
            gt2 = pe > m2
            i2 = jnp.where(gt1, i1, jnp.where(gt2, evecs[e], i2))
            m2 = jnp.where(gt1, m1, jnp.where(gt2, pe, m2))
            i1 = jnp.where(gt1, evecs[e], i1)
            m1 = jnp.where(gt1, pe, m1)
        s = m1 + m2
        wts_v[0, pl.ds(off, L)] = m1 / s
        wts_v[1, pl.ds(off, L)] = m2 / s
        idx_v[0, pl.ds(off, L)] = i1
        idx_v[1, pl.ds(off, L)] = i2
        for e in range(NUM_EXPERTS):
            me = ((i1 == evecs[e]) | (i2 == evecs[e])).astype(jnp.float32)
            mask_v[e, pl.ds(off, L)] = me
        return carry

    lax.fori_loop(0, GROUPS, group, 0)
    pltpu.sync_copy(wts_v, wts_hbm.at[:, pl.ds(base, CHUNK)])
    pltpu.sync_copy(idx_v, idx_hbm.at[:, pl.ds(base, CHUNK)])
    pltpu.sync_copy(mask_v, mask_hbm.at[:, pl.ds(base, CHUNK)])


@jax.jit
def kernel(x, W, b):
    n_tiles = TOKENS // TILE
    probs_t = pl.pallas_call(
        _softmax_t_body,
        grid=(n_tiles,),
        in_specs=[
            pl.BlockSpec((TILE, INPUT_DIM), lambda i: (i, 0)),
            pl.BlockSpec((NUM_EXPERTS, INPUT_DIM), lambda i: (0, 0)),
            pl.BlockSpec((NUM_EXPERTS, 1), lambda i: (0, 0)),
        ],
        out_specs=pl.BlockSpec((NUM_EXPERTS, TILE), lambda i: (0, i)),
        out_shape=jax.ShapeDtypeStruct((NUM_EXPERTS, TOKENS), jnp.float32),
    )(x, W.T, b.reshape(NUM_EXPERTS, 1))

    route = pl.kernel(
        _route_body,
        out_type=(
            jax.ShapeDtypeStruct((K, TOKENS), jnp.float32),
            jax.ShapeDtypeStruct((K, TOKENS), jnp.int32),
            jax.ShapeDtypeStruct((NUM_EXPERTS, TOKENS), jnp.float32),
        ),
        mesh=plsc.VectorSubcoreMesh(core_axis_name="c", subcore_axis_name="s"),
        compiler_params=pltpu.CompilerParams(needs_layout_passes=False,
                                             use_tc_tiling_on_sc=True),
        scratch_types=[
            pltpu.VMEM((NUM_EXPERTS, CHUNK), jnp.float32),
            pltpu.VMEM((K, CHUNK), jnp.float32),
            pltpu.VMEM((K, CHUNK), jnp.int32),
            pltpu.VMEM((NUM_EXPERTS, CHUNK), jnp.float32),
        ],
    )
    wts_t, idx_t, mask_t = route(probs_t)
    return (wts_t.T, idx_t.T, mask_t.T, probs_t.T)

# --- scband reference (transcript-rebuilt; emitter-appended) ---
"""Pipeline reference for scband-gating-network-15006615734190 (READ-ONLY COPY).

The authoritative reference and input builder live on the scoring server;
editing this copy changes nothing except your own understanding.
"""

import jax, jax.numpy as jnp
import numpy as np

INPUT_DIM = 2048
NUM_EXPERTS = 16
K = 2
TOKENS = 16384

def setup_inputs(seed: int = 0) -> dict:
    key = jax.random.key(seed)
    kx, kw, kb = jax.random.split(key, 3)
    x = jax.random.normal(kx, (TOKENS, INPUT_DIM), dtype=jnp.float32)
    # nn.Linear default init: U(-1/sqrt(fan_in), 1/sqrt(fan_in))
    bound = 1.0 / np.sqrt(INPUT_DIM)
    W = jax.random.uniform(kw, (INPUT_DIM, NUM_EXPERTS), dtype=jnp.float32, minval=-bound, maxval=bound)
    b = jax.random.uniform(kb, (NUM_EXPERTS,), dtype=jnp.float32, minval=-bound, maxval=bound)
    return {"x": x, "W": W, "b": b}

def reference(x, W, b):
    logits = x @ W + b
    probabilities = jax.nn.softmax(logits, axis=-1)
    top_k_weights, top_k_indices = jax.lax.top_k(probabilities, K)
    top_k_weights = top_k_weights / jnp.sum(top_k_weights, axis=-1, keepdims=True)
    # scatter 1.0 into mask at top-k expert positions
    rows = jnp.arange(probabilities.shape[0])[:, None]
    mask = jnp.zeros_like(probabilities).at[rows, top_k_indices].set(1.0)
    return (top_k_weights, top_k_indices, mask, probabilities)

if __name__ == "__main__":
    import jax
    _d = setup_inputs()
    print(jax.jit(kernel)(*tuple(_d.values())))

</pallas_src>

<mosaic_0001>
#map = affine_map<(d0, d1) -> (0, 0)>
module attributes {stable_mosaic.version = 14 : i64} {
  func.func @_route_body(%arg0: i32, %arg1: i32, %arg2: memref<16x16384xf32, #tpu.memory_space<hbm>>, %arg3: memref<2x16384xf32, #tpu.memory_space<hbm>>, %arg4: memref<2x16384xi32, #tpu.memory_space<hbm>>, %arg5: memref<16x16384xf32, #tpu.memory_space<hbm>>, %arg6: memref<16x512xf32, #tpu.memory_space<vmem>>, %arg7: memref<2x512xf32, #tpu.memory_space<vmem>>, %arg8: memref<2x512xi32, #tpu.memory_space<vmem>>, %arg9: memref<16x512xf32, #tpu.memory_space<vmem>>) attributes {dimension_semantics = [#tpu.dimension_semantics<core_parallel>, #tpu.dimension_semantics<subcore_parallel>], iteration_bounds = array<i64: 2, 16>, scalar_prefetch = 0 : i64, scratch_operands = 4 : i64, tpu.core_type = #tpu.core_type<sc_vector_subcore>, window_params = [{transform_indices = #map}, {transform_indices = #map}, {transform_indices = #map}, {transform_indices = #map}]} {
    %mul3A = arith.constant 2 : i32
    %mul3A_0 = arith.muli %arg1, %mul3A : i32
    %add3A = arith.addi %mul3A_0, %arg0 : i32
    %mul3A_1 = arith.constant 512 : i32
    %mul3A_2 = arith.muli %add3A, %mul3A_1 : i32
    "tpu.region"() ({
      %run_scoped3A = tpu.sem_alloc : memref<!tpu.dma_semaphore, #tpu.memory_space<semaphore_mem>>
      %dma_start3A = arith.constant 0 : i32
      %dma_start3A_8 = tpu.memref_slice %arg2[%dma_start3A, %mul3A_2] : memref<16x16384xf32, #tpu.memory_space<hbm>> -> memref<16x512xf32, #tpu.memory_space<hbm>>
      %dma_start3A_9 = arith.constant 0 : i32
      %dma_start3A_10 = tpu.memref_slice %arg2[%dma_start3A_9, %mul3A_2] : memref<16x16384xf32, #tpu.memory_space<hbm>> -> memref<16x512xf32, #tpu.memory_space<hbm>>
      tpu.enqueue_dma source(%dma_start3A_10 : memref<16x512xf32, #tpu.memory_space<hbm>>) target(%arg6 : memref<16x512xf32, #tpu.memory_space<vmem>>) target_semaphore(%run_scoped3A : memref<!tpu.dma_semaphore, #tpu.memory_space<semaphore_mem>>)
      %dma_wait3A = arith.constant 0 : i32
      %dma_wait3A_11 = tpu.memref_slice %arg2[%dma_wait3A, %mul3A_2] : memref<16x16384xf32, #tpu.memory_space<hbm>> -> memref<16x512xf32, #tpu.memory_space<hbm>>
      %dma_wait3A_12 = arith.constant 0 : i32
      %dma_wait3A_13 = tpu.memref_slice %arg2[%dma_wait3A_12, %mul3A_2] : memref<16x16384xf32, #tpu.memory_space<hbm>> -> memref<16x512xf32, #tpu.memory_space<hbm>>
      tpu.wait_dma2 semaphore(%run_scoped3A : memref<!tpu.dma_semaphore, #tpu.memory_space<semaphore_mem>>) src(%dma_wait3A_13 : memref<16x512xf32, #tpu.memory_space<hbm>>) dst(%arg6 : memref<16x512xf32, #tpu.memory_space<vmem>>)
      tpu.yield
    }) : () -> ()
    %scan3A = arith.constant 0 : i32
    %scan3A_3 = arith.constant 0 : i32
    %scan3A_4 = arith.constant 32 : i32
    %scan3A_5 = arith.addi %scan3A_3, %scan3A_4 : i32
    %scan3A_6 = arith.constant 1 : i32
    scf.for %scan3A_8 = %scan3A_3 to %scan3A_5 step %scan3A_6  : i32 {
      %mul3A_9 = arith.constant 16 : i32
      %mul3A_10 = arith.muli %scan3A_8, %mul3A_9 : i32
      %get3A = arith.constant 0 : i32
      %get3A_11 = arith.index_cast %get3A : i32 to index
      %get3A_12 = arith.index_cast %mul3A_10 : i32 to index
      %get3A_13 = tpu.vector_load %arg6[%get3A_11, %get3A_12] {strides = array<i32>} : memref<16x512xf32, #tpu.memory_space<vmem>>, vector<16xf32>,
      %get3A_14 = arith.constant 1 : i32
      %get3A_15 = arith.index_cast %get3A_14 : i32 to index
      %get3A_16 = arith.index_cast %mul3A_10 : i32 to index
      %get3A_17 = tpu.vector_load %arg6[%get3A_15, %get3A_16] {strides = array<i32>} : memref<16x512xf32, #tpu.memory_space<vmem>>, vector<16xf32>,
      %get3A_18 = arith.constant 2 : i32
      %get3A_19 = arith.index_cast %get3A_18 : i32 to index
      %get3A_20 = arith.index_cast %mul3A_10 : i32 to index
      %get3A_21 = tpu.vector_load %arg6[%get3A_19, %get3A_20] {strides = array<i32>} : memref<16x512xf32, #tpu.memory_space<vmem>>, vector<16xf32>,
      %get3A_22 = arith.constant 3 : i32
      %get3A_23 = arith.index_cast %get3A_22 : i32 to index
      %get3A_24 = arith.index_cast %mul3A_10 : i32 to index
      %get3A_25 = tpu.vector_load %arg6[%get3A_23, %get3A_24] {strides = array<i32>} : memref<16x512xf32, #tpu.memory_space<vmem>>, vector<16xf32>,
      %get3A_26 = arith.constant 4 : i32
      %get3A_27 = arith.index_cast %get3A_26 : i32 to index
      %get3A_28 = arith.index_cast %mul3A_10 : i32 to index
      %get3A_29 = tpu.vector_load %arg6[%get3A_27, %get3A_28] {strides = array<i32>} : memref<16x512xf32, #tpu.memory_space<vmem>>, vector<16xf32>,
      %get3A_30 = arith.constant 5 : i32
      %get3A_31 = arith.index_cast %get3A_30 : i32 to index
      %get3A_32 = arith.index_cast %mul3A_10 : i32 to index
      %get3A_33 = tpu.vector_load %arg6[%get3A_31, %get3A_32] {strides = array<i32>} : memref<16x512xf32, #tpu.memory_space<vmem>>, vector<16xf32>,
      %get3A_34 = arith.constant 6 : i32
      %get3A_35 = arith.index_cast %get3A_34 : i32 to index
      %get3A_36 = arith.index_cast %mul3A_10 : i32 to index
      %get3A_37 = tpu.vector_load %arg6[%get3A_35, %get3A_36] {strides = array<i32>} : memref<16x512xf32, #tpu.memory_space<vmem>>, vector<16xf32>,
      %get3A_38 = arith.constant 7 : i32
      %get3A_39 = arith.index_cast %get3A_38 : i32 to index
      %get3A_40 = arith.index_cast %mul3A_10 : i32 to index
      %get3A_41 = tpu.vector_load %arg6[%get3A_39, %get3A_40] {strides = array<i32>} : memref<16x512xf32, #tpu.memory_space<vmem>>, vector<16xf32>,
      %get3A_42 = arith.constant 8 : i32
      %get3A_43 = arith.index_cast %get3A_42 : i32 to index
      %get3A_44 = arith.index_cast %mul3A_10 : i32 to index
      %get3A_45 = tpu.vector_load %arg6[%get3A_43, %get3A_44] {strides = array<i32>} : memref<16x512xf32, #tpu.memory_space<vmem>>, vector<16xf32>,
      %get3A_46 = arith.constant 9 : i32
      %get3A_47 = arith.index_cast %get3A_46 : i32 to index
      %get3A_48 = arith.index_cast %mul3A_10 : i32 to index
      %get3A_49 = tpu.vector_load %arg6[%get3A_47, %get3A_48] {strides = array<i32>} : memref<16x512xf32, #tpu.memory_space<vmem>>, vector<16xf32>,
      %get3A_50 = arith.constant 10 : i32
      %get3A_51 = arith.index_cast %get3A_50 : i32 to index
      %get3A_52 = arith.index_cast %mul3A_10 : i32 to index
      %get3A_53 = tpu.vector_load %arg6[%get3A_51, %get3A_52] {strides = array<i32>} : memref<16x512xf32, #tpu.memory_space<vmem>>, vector<16xf32>,
      %get3A_54 = arith.constant 11 : i32
      %get3A_55 = arith.index_cast %get3A_54 : i32 to index
      %get3A_56 = arith.index_cast %mul3A_10 : i32 to index
      %get3A_57 = tpu.vector_load %arg6[%get3A_55, %get3A_56] {strides = array<i32>} : memref<16x512xf32, #tpu.memory_space<vmem>>, vector<16xf32>,
      %get3A_58 = arith.constant 12 : i32
      %get3A_59 = arith.index_cast %get3A_58 : i32 to index
      %get3A_60 = arith.index_cast %mul3A_10 : i32 to index
      %get3A_61 = tpu.vector_load %arg6[%get3A_59, %get3A_60] {strides = array<i32>} : memref<16x512xf32, #tpu.memory_space<vmem>>, vector<16xf32>,
      %get3A_62 = arith.constant 13 : i32
      %get3A_63 = arith.index_cast %get3A_62 : i32 to index
      %get3A_64 = arith.index_cast %mul3A_10 : i32 to index
      %get3A_65 = tpu.vector_load %arg6[%get3A_63, %get3A_64] {strides = array<i32>} : memref<16x512xf32, #tpu.memory_space<vmem>>, vector<16xf32>,
      %get3A_66 = arith.constant 14 : i32
      %get3A_67 = arith.index_cast %get3A_66 : i32 to index
      %get3A_68 = arith.index_cast %mul3A_10 : i32 to index
      %get3A_69 = tpu.vector_load %arg6[%get3A_67, %get3A_68] {strides = array<i32>} : memref<16x512xf32, #tpu.memory_space<vmem>>, vector<16xf32>,
      %get3A_70 = arith.constant 15 : i32
      %get3A_71 = arith.index_cast %get3A_70 : i32 to index
      %get3A_72 = arith.index_cast %mul3A_10 : i32 to index
      %get3A_73 = tpu.vector_load %arg6[%get3A_71, %get3A_72] {strides = array<i32>} : memref<16x512xf32, #tpu.memory_space<vmem>>, vector<16xf32>,
      %broadcast_in_dim3A = arith.constant 0 : i32
      %broadcast_in_dim3A_74 = vector.broadcast %broadcast_in_dim3A : i32 to vector<16xi32>
      %broadcast_in_dim3A_75 = arith.constant 1 : i32
      %broadcast_in_dim3A_76 = vector.broadcast %broadcast_in_dim3A_75 : i32 to vector<16xi32>
      %broadcast_in_dim3A_77 = arith.constant 2 : i32
      %broadcast_in_dim3A_78 = vector.broadcast %broadcast_in_dim3A_77 : i32 to vector<16xi32>
      %broadcast_in_dim3A_79 = arith.constant 3 : i32
      %broadcast_in_dim3A_80 = vector.broadcast %broadcast_in_dim3A_79 : i32 to vector<16xi32>
      %broadcast_in_dim3A_81 = arith.constant 4 : i32
      %broadcast_in_dim3A_82 = vector.broadcast %broadcast_in_dim3A_81 : i32 to vector<16xi32>
      %broadcast_in_dim3A_83 = arith.constant 5 : i32
      %broadcast_in_dim3A_84 = vector.broadcast %broadcast_in_dim3A_83 : i32 to vector<16xi32>
      %broadcast_in_dim3A_85 = arith.constant 6 : i32
      %broadcast_in_dim3A_86 = vector.broadcast %broadcast_in_dim3A_85 : i32 to vector<16xi32>
      %broadcast_in_dim3A_87 = arith.constant 7 : i32
      %broadcast_in_dim3A_88 = vector.broadcast %broadcast_in_dim3A_87 : i32 to vector<16xi32>
      %broadcast_in_dim3A_89 = arith.constant 8 : i32
      %broadcast_in_dim3A_90 = vector.broadcast %broadcast_in_dim3A_89 : i32 to vector<16xi32>
      %broadcast_in_dim3A_91 = arith.constant 9 : i32
      %broadcast_in_dim3A_92 = vector.broadcast %broadcast_in_dim3A_91 : i32 to vector<16xi32>
      %broadcast_in_dim3A_93 = arith.constant 10 : i32
      %broadcast_in_dim3A_94 = vector.broadcast %broadcast_in_dim3A_93 : i32 to vector<16xi32>
      %broadcast_in_dim3A_95 = arith.constant 11 : i32
      %broadcast_in_dim3A_96 = vector.broadcast %broadcast_in_dim3A_95 : i32 to vector<16xi32>
      %broadcast_in_dim3A_97 = arith.constant 12 : i32
      %broadcast_in_dim3A_98 = vector.broadcast %broadcast_in_dim3A_97 : i32 to vector<16xi32>
      %broadcast_in_dim3A_99 = arith.constant 13 : i32
      %broadcast_in_dim3A_100 = vector.broadcast %broadcast_in_dim3A_99 : i32 to vector<16xi32>
      %broadcast_in_dim3A_101 = arith.constant 14 : i32
      %broadcast_in_dim3A_102 = vector.broadcast %broadcast_in_dim3A_101 : i32 to vector<16xi32>
      %broadcast_in_dim3A_103 = arith.constant 15 : i32
      %broadcast_in_dim3A_104 = vector.broadcast %broadcast_in_dim3A_103 : i32 to vector<16xi32>
      %broadcast_in_dim3A_105 = arith.constant 0 : i32
      %broadcast_in_dim3A_106 = vector.broadcast %broadcast_in_dim3A_105 : i32 to vector<16xi32>
      %broadcast_in_dim3A_107 = arith.constant -1.000000e+00 : f32
      %broadcast_in_dim3A_108 = vector.broadcast %broadcast_in_dim3A_107 : f32 to vector<16xf32>
      %broadcast_in_dim3A_109 = arith.constant 0 : i32
      %broadcast_in_dim3A_110 = vector.broadcast %broadcast_in_dim3A_109 : i32 to vector<16xi32>
      %gt3A = arith.cmpf ogt, %get3A_17, %get3A_13 : vector<16xf32>
      %gt3A_111 = arith.cmpf ogt, %get3A_17, %broadcast_in_dim3A_108 : vector<16xf32>
      %select_n3A = arith.select %gt3A_111, %broadcast_in_dim3A_76, %broadcast_in_dim3A_110 : vector<16xi1>, vector<16xi32>
      %select_n3A_112 = arith.select %gt3A, %broadcast_in_dim3A_106, %select_n3A : vector<16xi1>, vector<16xi32>
      %select_n3A_113 = arith.select %gt3A_111, %get3A_17, %broadcast_in_dim3A_108 : vector<16xi1>, vector<16xf32>
      %select_n3A_114 = arith.select %gt3A, %get3A_13, %select_n3A_113 : vector<16xi1>, vector<16xf32>
      %select_n3A_115 = arith.select %gt3A, %broadcast_in_dim3A_76, %broadcast_in_dim3A_106 : vector<16xi1>, vector<16xi32>
      %select_n3A_116 = arith.select %gt3A, %get3A_17, %get3A_13 : vector<16xi1>, vector<16xf32>
      %gt3A_117 = arith.cmpf ogt, %get3A_21, %select_n3A_116 : vector<16xf32>
      %gt3A_118 = arith.cmpf ogt, %get3A_21, %select_n3A_114 : vector<16xf32>
      %select_n3A_119 = arith.select %gt3A_118, %broadcast_in_dim3A_78, %select_n3A_112 : vector<16xi1>, vector<16xi32>
      %select_n3A_120 = arith.select %gt3A_117, %select_n3A_115, %select_n3A_119 : vector<16xi1>, vector<16xi32>
      %select_n3A_121 = arith.select %gt3A_118, %get3A_21, %select_n3A_114 : vector<16xi1>, vector<16xf32>
      %select_n3A_122 = arith.select %gt3A_117, %select_n3A_116, %select_n3A_121 : vector<16xi1>, vector<16xf32>
      %select_n3A_123 = arith.select %gt3A_117, %broadcast_in_dim3A_78, %select_n3A_115 : vector<16xi1>, vector<16xi32>
      %select_n3A_124 = arith.select %gt3A_117, %get3A_21, %select_n3A_116 : vector<16xi1>, vector<16xf32>
      %gt3A_125 = arith.cmpf ogt, %get3A_25, %select_n3A_124 : vector<16xf32>
      %gt3A_126 = arith.cmpf ogt, %get3A_25, %select_n3A_122 : vector<16xf32>
      %select_n3A_127 = arith.select %gt3A_126, %broadcast_in_dim3A_80, %select_n3A_120 : vector<16xi1>, vector<16xi32>
      %select_n3A_128 = arith.select %gt3A_125, %select_n3A_123, %select_n3A_127 : vector<16xi1>, vector<16xi32>
      %select_n3A_129 = arith.select %gt3A_126, %get3A_25, %select_n3A_122 : vector<16xi1>, vector<16xf32>
      %select_n3A_130 = arith.select %gt3A_125, %select_n3A_124, %select_n3A_129 : vector<16xi1>, vector<16xf32>
      %select_n3A_131 = arith.select %gt3A_125, %broadcast_in_dim3A_80, %select_n3A_123 : vector<16xi1>, vector<16xi32>
      %select_n3A_132 = arith.select %gt3A_125, %get3A_25, %select_n3A_124 : vector<16xi1>, vector<16xf32>
      %gt3A_133 = arith.cmpf ogt, %get3A_29, %select_n3A_132 : vector<16xf32>
      %gt3A_134 = arith.cmpf ogt, %get3A_29, %select_n3A_130 : vector<16xf32>
      %select_n3A_135 = arith.select %gt3A_134, %broadcast_in_dim3A_82, %select_n3A_128 : vector<16xi1>, vector<16xi32>
      %select_n3A_136 = arith.select %gt3A_133, %select_n3A_131, %select_n3A_135 : vector<16xi1>, vector<16xi32>
      %select_n3A_137 = arith.select %gt3A_134, %get3A_29, %select_n3A_130 : vector<16xi1>, vector<16xf32>
      %select_n3A_138 = arith.select %gt3A_133, %select_n3A_132, %select_n3A_137 : vector<16xi1>, vector<16xf32>
      %select_n3A_139 = arith.select %gt3A_133, %broadcast_in_dim3A_82, %select_n3A_131 : vector<16xi1>, vector<16xi32>
      %select_n3A_140 = arith.select %gt3A_133, %get3A_29, %select_n3A_132 : vector<16xi1>, vector<16xf32>
      %gt3A_141 = arith.cmpf ogt, %get3A_33, %select_n3A_140 : vector<16xf32>
      %gt3A_142 = arith.cmpf ogt, %get3A_33, %select_n3A_138 : vector<16xf32>
      %select_n3A_143 = arith.select %gt3A_142, %broadcast_in_dim3A_84, %select_n3A_136 : vector<16xi1>, vector<16xi32>
      %select_n3A_144 = arith.select %gt3A_141, %select_n3A_139, %select_n3A_143 : vector<16xi1>, vector<16xi32>
      %select_n3A_145 = arith.select %gt3A_142, %get3A_33, %select_n3A_138 : vector<16xi1>, vector<16xf32>
      %select_n3A_146 = arith.select %gt3A_141, %select_n3A_140, %select_n3A_145 : vector<16xi1>, vector<16xf32>
      %select_n3A_147 = arith.select %gt3A_141, %broadcast_in_dim3A_84, %select_n3A_139 : vector<16xi1>, vector<16xi32>
      %select_n3A_148 = arith.select %gt3A_141, %get3A_33, %select_n3A_140 : vector<16xi1>, vector<16xf32>
      %gt3A_149 = arith.cmpf ogt, %get3A_37, %select_n3A_148 : vector<16xf32>
      %gt3A_150 = arith.cmpf ogt, %get3A_37, %select_n3A_146 : vector<16xf32>
      %select_n3A_151 = arith.select %gt3A_150, %broadcast_in_dim3A_86, %select_n3A_144 : vector<16xi1>, vector<16xi32>
      %select_n3A_152 = arith.select %gt3A_149, %select_n3A_147, %select_n3A_151 : vector<16xi1>, vector<16xi32>
      %select_n3A_153 = arith.select %gt3A_150, %get3A_37, %select_n3A_146 : vector<16xi1>, vector<16xf32>
      %select_n3A_154 = arith.select %gt3A_149, %select_n3A_148, %select_n3A_153 : vector<16xi1>, vector<16xf32>
      %select_n3A_155 = arith.select %gt3A_149, %broadcast_in_dim3A_86, %select_n3A_147 : vector<16xi1>, vector<16xi32>
      %select_n3A_156 = arith.select %gt3A_149, %get3A_37, %select_n3A_148 : vector<16xi1>, vector<16xf32>
      %gt3A_157 = arith.cmpf ogt, %get3A_41, %select_n3A_156 : vector<16xf32>
      %gt3A_158 = arith.cmpf ogt, %get3A_41, %select_n3A_154 : vector<16xf32>
      %select_n3A_159 = arith.select %gt3A_158, %broadcast_in_dim3A_88, %select_n3A_152 : vector<16xi1>, vector<16xi32>
      %select_n3A_160 = arith.select %gt3A_157, %select_n3A_155, %select_n3A_159 : vector<16xi1>, vector<16xi32>
      %select_n3A_161 = arith.select %gt3A_158, %get3A_41, %select_n3A_154 : vector<16xi1>, vector<16xf32>
      %select_n3A_162 = arith.select %gt3A_157, %select_n3A_156, %select_n3A_161 : vector<16xi1>, vector<16xf32>
      %select_n3A_163 = arith.select %gt3A_157, %broadcast_in_dim3A_88, %select_n3A_155 : vector<16xi1>, vector<16xi32>
      %select_n3A_164 = arith.select %gt3A_157, %get3A_41, %select_n3A_156 : vector<16xi1>, vector<16xf32>
      %gt3A_165 = arith.cmpf ogt, %get3A_45, %select_n3A_164 : vector<16xf32>
      %gt3A_166 = arith.cmpf ogt, %get3A_45, %select_n3A_162 : vector<16xf32>
      %select_n3A_167 = arith.select %gt3A_166, %broadcast_in_dim3A_90, %select_n3A_160 : vector<16xi1>, vector<16xi32>
      %select_n3A_168 = arith.select %gt3A_165, %select_n3A_163, %select_n3A_167 : vector<16xi1>, vector<16xi32>
      %select_n3A_169 = arith.select %gt3A_166, %get3A_45, %select_n3A_162 : vector<16xi1>, vector<16xf32>
      %select_n3A_170 = arith.select %gt3A_165, %select_n3A_164, %select_n3A_169 : vector<16xi1>, vector<16xf32>
      %select_n3A_171 = arith.select %gt3A_165, %broadcast_in_dim3A_90, %select_n3A_163 : vector<16xi1>, vector<16xi32>
      %select_n3A_172 = arith.select %gt3A_165, %get3A_45, %select_n3A_164 : vector<16xi1>, vector<16xf32>
      %gt3A_173 = arith.cmpf ogt, %get3A_49, %select_n3A_172 : vector<16xf32>
      %gt3A_174 = arith.cmpf ogt, %get3A_49, %select_n3A_170 : vector<16xf32>
      %select_n3A_175 = arith.select %gt3A_174, %broadcast_in_dim3A_92, %select_n3A_168 : vector<16xi1>, vector<16xi32>
      %select_n3A_176 = arith.select %gt3A_173, %select_n3A_171, %select_n3A_175 : vector<16xi1>, vector<16xi32>
      %select_n3A_177 = arith.select %gt3A_174, %get3A_49, %select_n3A_170 : vector<16xi1>, vector<16xf32>
      %select_n3A_178 = arith.select %gt3A_173, %select_n3A_172, %select_n3A_177 : vector<16xi1>, vector<16xf32>
      %select_n3A_179 = arith.select %gt3A_173, %broadcast_in_dim3A_92, %select_n3A_171 : vector<16xi1>, vector<16xi32>
      %select_n3A_180 = arith.select %gt3A_173, %get3A_49, %select_n3A_172 : vector<16xi1>, vector<16xf32>
      %gt3A_181 = arith.cmpf ogt, %get3A_53, %select_n3A_180 : vector<16xf32>
      %gt3A_182 = arith.cmpf ogt, %get3A_53, %select_n3A_178 : vector<16xf32>
      %select_n3A_183 = arith.select %gt3A_182, %broadcast_in_dim3A_94, %select_n3A_176 : vector<16xi1>, vector<16xi32>
      %select_n3A_184 = arith.select %gt3A_181, %select_n3A_179, %select_n3A_183 : vector<16xi1>, vector<16xi32>
      %select_n3A_185 = arith.select %gt3A_182, %get3A_53, %select_n3A_178 : vector<16xi1>, vector<16xf32>
      %select_n3A_186 = arith.select %gt3A_181, %select_n3A_180, %select_n3A_185 : vector<16xi1>, vector<16xf32>
      %select_n3A_187 = arith.select %gt3A_181, %broadcast_in_dim3A_94, %select_n3A_179 : vector<16xi1>, vector<16xi32>
      %select_n3A_188 = arith.select %gt3A_181, %get3A_53, %select_n3A_180 : vector<16xi1>, vector<16xf32>
      %gt3A_189 = arith.cmpf ogt, %get3A_57, %select_n3A_188 : vector<16xf32>
      %gt3A_190 = arith.cmpf ogt, %get3A_57, %select_n3A_186 : vector<16xf32>
      %select_n3A_191 = arith.select %gt3A_190, %broadcast_in_dim3A_96, %select_n3A_184 : vector<16xi1>, vector<16xi32>
      %select_n3A_192 = arith.select %gt3A_189, %select_n3A_187, %select_n3A_191 : vector<16xi1>, vector<16xi32>
      %select_n3A_193 = arith.select %gt3A_190, %get3A_57, %select_n3A_186 : vector<16xi1>, vector<16xf32>
      %select_n3A_194 = arith.select %gt3A_189, %select_n3A_188, %select_n3A_193 : vector<16xi1>, vector<16xf32>
      %select_n3A_195 = arith.select %gt3A_189, %broadcast_in_dim3A_96, %select_n3A_187 : vector<16xi1>, vector<16xi32>
      %select_n3A_196 = arith.select %gt3A_189, %get3A_57, %select_n3A_188 : vector<16xi1>, vector<16xf32>
      %gt3A_197 = arith.cmpf ogt, %get3A_61, %select_n3A_196 : vector<16xf32>
      %gt3A_198 = arith.cmpf ogt, %get3A_61, %select_n3A_194 : vector<16xf32>
      %select_n3A_199 = arith.select %gt3A_198, %broadcast_in_dim3A_98, %select_n3A_192 : vector<16xi1>, vector<16xi32>
      %select_n3A_200 = arith.select %gt3A_197, %select_n3A_195, %select_n3A_199 : vector<16xi1>, vector<16xi32>
      %select_n3A_201 = arith.select %gt3A_198, %get3A_61, %select_n3A_194 : vector<16xi1>, vector<16xf32>
      %select_n3A_202 = arith.select %gt3A_197, %select_n3A_196, %select_n3A_201 : vector<16xi1>, vector<16xf32>
      %select_n3A_203 = arith.select %gt3A_197, %broadcast_in_dim3A_98, %select_n3A_195 : vector<16xi1>, vector<16xi32>
      %select_n3A_204 = arith.select %gt3A_197, %get3A_61, %select_n3A_196 : vector<16xi1>, vector<16xf32>
      %gt3A_205 = arith.cmpf ogt, %get3A_65, %select_n3A_204 : vector<16xf32>
      %gt3A_206 = arith.cmpf ogt, %get3A_65, %select_n3A_202 : vector<16xf32>
      %select_n3A_207 = arith.select %gt3A_206, %broadcast_in_dim3A_100, %select_n3A_200 : vector<16xi1>, vector<16xi32>
      %select_n3A_208 = arith.select %gt3A_205, %select_n3A_203, %select_n3A_207 : vector<16xi1>, vector<16xi32>
      %select_n3A_209 = arith.select %gt3A_206, %get3A_65, %select_n3A_202 : vector<16xi1>, vector<16xf32>
      %select_n3A_210 = arith.select %gt3A_205, %select_n3A_204, %select_n3A_209 : vector<16xi1>, vector<16xf32>
      %select_n3A_211 = arith.select %gt3A_205, %broadcast_in_dim3A_100, %select_n3A_203 : vector<16xi1>, vector<16xi32>
      %select_n3A_212 = arith.select %gt3A_205, %get3A_65, %select_n3A_204 : vector<16xi1>, vector<16xf32>
      %gt3A_213 = arith.cmpf ogt, %get3A_69, %select_n3A_212 : vector<16xf32>
      %gt3A_214 = arith.cmpf ogt, %get3A_69, %select_n3A_210 : vector<16xf32>
      %select_n3A_215 = arith.select %gt3A_214, %broadcast_in_dim3A_102, %select_n3A_208 : vector<16xi1>, vector<16xi32>
      %select_n3A_216 = arith.select %gt3A_213, %select_n3A_211, %select_n3A_215 : vector<16xi1>, vector<16xi32>
      %select_n3A_217 = arith.select %gt3A_214, %get3A_69, %select_n3A_210 : vector<16xi1>, vector<16xf32>
      %select_n3A_218 = arith.select %gt3A_213, %select_n3A_212, %select_n3A_217 : vector<16xi1>, vector<16xf32>
      %select_n3A_219 = arith.select %gt3A_213, %broadcast_in_dim3A_102, %select_n3A_211 : vector<16xi1>, vector<16xi32>
      %select_n3A_220 = arith.select %gt3A_213, %get3A_69, %select_n3A_212 : vector<16xi1>, vector<16xf32>
      %gt3A_221 = arith.cmpf ogt, %get3A_73, %select_n3A_220 : vector<16xf32>
      %gt3A_222 = arith.cmpf ogt, %get3A_73, %select_n3A_218 : vector<16xf32>
      %select_n3A_223 = arith.select %gt3A_222, %broadcast_in_dim3A_104, %select_n3A_216 : vector<16xi1>, vector<16xi32>
      %select_n3A_224 = arith.select %gt3A_221, %select_n3A_219, %select_n3A_223 : vector<16xi1>, vector<16xi32>
      %select_n3A_225 = arith.select %gt3A_222, %get3A_73, %select_n3A_218 : vector<16xi1>, vector<16xf32>
      %select_n3A_226 = arith.select %gt3A_221, %select_n3A_220, %select_n3A_225 : vector<16xi1>, vector<16xf32>
      %select_n3A_227 = arith.select %gt3A_221, %broadcast_in_dim3A_104, %select_n3A_219 : vector<16xi1>, vector<16xi32>
      %select_n3A_228 = arith.select %gt3A_221, %get3A_73, %select_n3A_220 : vector<16xi1>, vector<16xf32>
      %add3A_229 = arith.addf %select_n3A_228, %select_n3A_226 : vector<16xf32>
      %div3A = arith.divf %select_n3A_228, %add3A_229 : vector<16xf32>
      %swap3A = arith.constant 0 : i32
      %swap3A_230 = arith.index_cast %swap3A : i32 to index
      %swap3A_231 = arith.index_cast %mul3A_10 : i32 to index
      %swap3A_232 = tpu.vector_load %arg7[%swap3A_230, %swap3A_231] {strides = array<i32>} : memref<2x512xf32, #tpu.memory_space<vmem>>, vector<16xf32>,
      tpu.vector_store %arg7[%swap3A_230, %swap3A_231], %div3A {strides = array<i32>} : memref<2x512xf32, #tpu.memory_space<vmem>>, vector<16xf32>,
      %div3A_233 = arith.divf %select_n3A_226, %add3A_229 : vector<16xf32>
      %swap3A_234 = arith.constant 1 : i32
      %swap3A_235 = arith.index_cast %swap3A_234 : i32 to index
      %swap3A_236 = arith.index_cast %mul3A_10 : i32 to index
      %swap3A_237 = tpu.vector_load %arg7[%swap3A_235, %swap3A_236] {strides = array<i32>} : memref<2x512xf32, #tpu.memory_space<vmem>>, vector<16xf32>,
      tpu.vector_store %arg7[%swap3A_235, %swap3A_236], %div3A_233 {strides = array<i32>} : memref<2x512xf32, #tpu.memory_space<vmem>>, vector<16xf32>,
      %swap3A_238 = arith.constant 0 : i32
      %swap3A_239 = arith.index_cast %swap3A_238 : i32 to index
      %swap3A_240 = arith.index_cast %mul3A_10 : i32 to index
      %swap3A_241 = tpu.vector_load %arg8[%swap3A_239, %swap3A_240] {strides = array<i32>} : memref<2x512xi32, #tpu.memory_space<vmem>>, vector<16xi32>,
      tpu.vector_store %arg8[%swap3A_239, %swap3A_240], %select_n3A_227 {strides = array<i32>} : memref<2x512xi32, #tpu.memory_space<vmem>>, vector<16xi32>,
      %swap3A_242 = arith.constant 1 : i32
      %swap3A_243 = arith.index_cast %swap3A_242 : i32 to index
      %swap3A_244 = arith.index_cast %mul3A_10 : i32 to index
      %swap3A_245 = tpu.vector_load %arg8[%swap3A_243, %swap3A_244] {strides = array<i32>} : memref<2x512xi32, #tpu.memory_space<vmem>>, vector<16xi32>,
      tpu.vector_store %arg8[%swap3A_243, %swap3A_244], %select_n3A_224 {strides = array<i32>} : memref<2x512xi32, #tpu.memory_space<vmem>>, vector<16xi32>,
      %eq3A = arith.cmpi eq, %select_n3A_227, %broadcast_in_dim3A_74 : vector<16xi32>
      %eq3A_246 = arith.cmpi eq, %select_n3A_224, %broadcast_in_dim3A_74 : vector<16xi32>
      %or3A = arith.ori %eq3A, %eq3A_246 : vector<16xi1>
      %convert_element_type3A = arith.extui %or3A : vector<16xi1> to vector<16xi32>
      %convert_element_type3A_247 = arith.sitofp %convert_element_type3A : vector<16xi32> to vector<16xf32>
      %swap3A_248 = arith.constant 0 : i32
      %swap3A_249 = arith.index_cast %swap3A_248 : i32 to index
      %swap3A_250 = arith.index_cast %mul3A_10 : i32 to index
      %swap3A_251 = tpu.vector_load %arg9[%swap3A_249, %swap3A_250] {strides = array<i32>} : memref<16x512xf32, #tpu.memory_space<vmem>>, vector<16xf32>,
      tpu.vector_store %arg9[%swap3A_249, %swap3A_250], %convert_element_type3A_247 {strides = array<i32>} : memref<16x512xf32, #tpu.memory_space<vmem>>, vector<16xf32>,
      %eq3A_252 = arith.cmpi eq, %select_n3A_227, %broadcast_in_dim3A_76 : vector<16xi32>
      %eq3A_253 = arith.cmpi eq, %select_n3A_224, %broadcast_in_dim3A_76 : vector<16xi32>
      %or3A_254 = arith.ori %eq3A_252, %eq3A_253 : vector<16xi1>
      %convert_element_type3A_255 = arith.extui %or3A_254 : vector<16xi1> to vector<16xi32>
      %convert_element_type3A_256 = arith.sitofp %convert_element_type3A_255 : vector<16xi32> to vector<16xf32>
      %swap3A_257 = arith.constant 1 : i32
      %swap3A_258 = arith.index_cast %swap3A_257 : i32 to index
      %swap3A_259 = arith.index_cast %mul3A_10 : i32 to index
      %swap3A_260 = tpu.vector_load %arg9[%swap3A_258, %swap3A_259] {strides = array<i32>} : memref<16x512xf32, #tpu.memory_space<vmem>>, vector<16xf32>,
      tpu.vector_store %arg9[%swap3A_258, %swap3A_259], %convert_element_type3A_256 {strides = array<i32>} : memref<16x512xf32, #tpu.memory_space<vmem>>, vector<16xf32>,
      %eq3A_261 = arith.cmpi eq, %select_n3A_227, %broadcast_in_dim3A_78 : vector<16xi32>
      %eq3A_262 = arith.cmpi eq, %select_n3A_224, %broadcast_in_dim3A_78 : vector<16xi32>
      %or3A_263 = arith.ori %eq3A_261, %eq3A_262 : vector<16xi1>
      %convert_element_type3A_264 = arith.extui %or3A_263 : vector<16xi1> to vector<16xi32>
      %convert_element_type3A_265 = arith.sitofp %convert_element_type3A_264 : vector<16xi32> to vector<16xf32>
      %swap3A_266 = arith.constant 2 : i32
      %swap3A_267 = arith.index_cast %swap3A_266 : i32 to index
      %swap3A_268 = arith.index_cast %mul3A_10 : i32 to index
      %swap3A_269 = tpu.vector_load %arg9[%swap3A_267, %swap3A_268] {strides = array<i32>} : memref<16x512xf32, #tpu.memory_space<vmem>>, vector<16xf32>,
      tpu.vector_store %arg9[%swap3A_267, %swap3A_268], %convert_element_type3A_265 {strides = array<i32>} : memref<16x512xf32, #tpu.memory_space<vmem>>, vector<16xf32>,
      %eq3A_270 = arith.cmpi eq, %select_n3A_227, %broadcast_in_dim3A_80 : vector<16xi32>
      %eq3A_271 = arith.cmpi eq, %select_n3A_224, %broadcast_in_dim3A_80 : vector<16xi32>
      %or3A_272 = arith.ori %eq3A_270, %eq3A_271 : vector<16xi1>
      %convert_element_type3A_273 = arith.extui %or3A_272 : vector<16xi1> to vector<16xi32>
      %convert_element_type3A_274 = arith.sitofp %convert_element_type3A_273 : vector<16xi32> to vector<16xf32>
      %swap3A_275 = arith.constant 3 : i32
      %swap3A_276 = arith.index_cast %swap3A_275 : i32 to index
      %swap3A_277 = arith.index_cast %mul3A_10 : i32 to index
      %swap3A_278 = tpu.vector_load %arg9[%swap3A_276, %swap3A_277] {strides = array<i32>} : memref<16x512xf32, #tpu.memory_space<vmem>>, vector<16xf32>,
      tpu.vector_store %arg9[%swap3A_276, %swap3A_277], %convert_element_type3A_274 {strides = array<i32>} : memref<16x512xf32, #tpu.memory_space<vmem>>, vector<16xf32>,
      %eq3A_279 = arith.cmpi eq, %select_n3A_227, %broadcast_in_dim3A_82 : vector<16xi32>
      %eq3A_280 = arith.cmpi eq, %select_n3A_224, %broadcast_in_dim3A_82 : vector<16xi32>
      %or3A_281 = arith.ori %eq3A_279, %eq3A_280 : vector<16xi1>
      %convert_element_type3A_282 = arith.extui %or3A_281 : vector<16xi1> to vector<16xi32>
      %convert_element_type3A_283 = arith.sitofp %convert_element_type3A_282 : vector<16xi32> to vector<16xf32>
      %swap3A_284 = arith.constant 4 : i32
      %swap3A_285 = arith.index_cast %swap3A_284 : i32 to index
      %swap3A_286 = arith.index_cast %mul3A_10 : i32 to index
      %swap3A_287 = tpu.vector_load %arg9[%swap3A_285, %swap3A_286] {strides = array<i32>} : memref<16x512xf32, #tpu.memory_space<vmem>>, vector<16xf32>,
      tpu.vector_store %arg9[%swap3A_285, %swap3A_286], %convert_element_type3A_283 {strides = array<i32>} : memref<16x512xf32, #tpu.memory_space<vmem>>, vector<16xf32>,
      %eq3A_288 = arith.cmpi eq, %select_n3A_227, %broadcast_in_dim3A_84 : vector<16xi32>
      %eq3A_289 = arith.cmpi eq, %select_n3A_224, %broadcast_in_dim3A_84 : vector<16xi32>
      %or3A_290 = arith.ori %eq3A_288, %eq3A_289 : vector<16xi1>
      %convert_element_type3A_291 = arith.extui %or3A_290 : vector<16xi1> to vector<16xi32>
      %convert_element_type3A_292 = arith.sitofp %convert_element_type3A_291 : vector<16xi32> to vector<16xf32>
      %swap3A_293 = arith.constant 5 : i32
      %swap3A_294 = arith.index_cast %swap3A_293 : i32 to index
      %swap3A_295 = arith.index_cast %mul3A_10 : i32 to index
      %swap3A_296 = tpu.vector_load %arg9[%swap3A_294, %swap3A_295] {strides = array<i32>} : memref<16x512xf32, #tpu.memory_space<vmem>>, vector<16xf32>,
      tpu.vector_store %arg9[%swap3A_294, %swap3A_295], %convert_element_type3A_292 {strides = array<i32>} : memref<16x512xf32, #tpu.memory_space<vmem>>, vector<16xf32>,
      %eq3A_297 = arith.cmpi eq, %select_n3A_227, %broadcast_in_dim3A_86 : vector<16xi32>
      %eq3A_298 = arith.cmpi eq, %select_n3A_224, %broadcast_in_dim3A_86 : vector<16xi32>
      %or3A_299 = arith.ori %eq3A_297, %eq3A_298 : vector<16xi1>
      %convert_element_type3A_300 = arith.extui %or3A_299 : vector<16xi1> to vector<16xi32>
      %convert_element_type3A_301 = arith.sitofp %convert_element_type3A_300 : vector<16xi32> to vector<16xf32>
      %swap3A_302 = arith.constant 6 : i32
      %swap3A_303 = arith.index_cast %swap3A_302 : i32 to index
      %swap3A_304 = arith.index_cast %mul3A_10 : i32 to index
      %swap3A_305 = tpu.vector_load %arg9[%swap3A_303, %swap3A_304] {strides = array<i32>} : memref<16x512xf32, #tpu.memory_space<vmem>>, vector<16xf32>,
      tpu.vector_store %arg9[%swap3A_303, %swap3A_304], %convert_element_type3A_301 {strides = array<i32>} : memref<16x512xf32, #tpu.memory_space<vmem>>, vector<16xf32>,
      %eq3A_306 = arith.cmpi eq, %select_n3A_227, %broadcast_in_dim3A_88 : vector<16xi32>
      %eq3A_307 = arith.cmpi eq, %select_n3A_224, %broadcast_in_dim3A_88 : vector<16xi32>
      %or3A_308 = arith.ori %eq3A_306, %eq3A_307 : vector<16xi1>
      %convert_element_type3A_309 = arith.extui %or3A_308 : vector<16xi1> to vector<16xi32>
      %convert_element_type3A_310 = arith.sitofp %convert_element_type3A_309 : vector<16xi32> to vector<16xf32>
      %swap3A_311 = arith.constant 7 : i32
      %swap3A_312 = arith.index_cast %swap3A_311 : i32 to index
      %swap3A_313 = arith.index_cast %mul3A_10 : i32 to index
      %swap3A_314 = tpu.vector_load %arg9[%swap3A_312, %swap3A_313] {strides = array<i32>} : memref<16x512xf32, #tpu.memory_space<vmem>>, vector<16xf32>,
      tpu.vector_store %arg9[%swap3A_312, %swap3A_313], %convert_element_type3A_310 {strides = array<i32>} : memref<16x512xf32, #tpu.memory_space<vmem>>, vector<16xf32>,
      %eq3A_315 = arith.cmpi eq, %select_n3A_227, %broadcast_in_dim3A_90 : vector<16xi32>
      %eq3A_316 = arith.cmpi eq, %select_n3A_224, %broadcast_in_dim3A_90 : vector<16xi32>
      %or3A_317 = arith.ori %eq3A_315, %eq3A_316 : vector<16xi1>
      %convert_element_type3A_318 = arith.extui %or3A_317 : vector<16xi1> to vector<16xi32>
      %convert_element_type3A_319 = arith.sitofp %convert_element_type3A_318 : vector<16xi32> to vector<16xf32>
      %swap3A_320 = arith.constant 8 : i32
      %swap3A_321 = arith.index_cast %swap3A_320 : i32 to index
      %swap3A_322 = arith.index_cast %mul3A_10 : i32 to index
      %swap3A_323 = tpu.vector_load %arg9[%swap3A_321, %swap3A_322] {strides = array<i32>} : memref<16x512xf32, #tpu.memory_space<vmem>>, vector<16xf32>,
      tpu.vector_store %arg9[%swap3A_321, %swap3A_322], %convert_element_type3A_319 {strides = array<i32>} : memref<16x512xf32, #tpu.memory_space<vmem>>, vector<16xf32>,
      %eq3A_324 = arith.cmpi eq, %select_n3A_227, %broadcast_in_dim3A_92 : vector<16xi32>
      %eq3A_325 = arith.cmpi eq, %select_n3A_224, %broadcast_in_dim3A_92 : vector<16xi32>
      %or3A_326 = arith.ori %eq3A_324, %eq3A_325 : vector<16xi1>
      %convert_element_type3A_327 = arith.extui %or3A_326 : vector<16xi1> to vector<16xi32>
      %convert_element_type3A_328 = arith.sitofp %convert_element_type3A_327 : vector<16xi32> to vector<16xf32>
      %swap3A_329 = arith.constant 9 : i32
      %swap3A_330 = arith.index_cast %swap3A_329 : i32 to index
      %swap3A_331 = arith.index_cast %mul3A_10 : i32 to index
      %swap3A_332 = tpu.vector_load %arg9[%swap3A_330, %swap3A_331] {strides = array<i32>} : memref<16x512xf32, #tpu.memory_space<vmem>>, vector<16xf32>,
      tpu.vector_store %arg9[%swap3A_330, %swap3A_331], %convert_element_type3A_328 {strides = array<i32>} : memref<16x512xf32, #tpu.memory_space<vmem>>, vector<16xf32>,
      %eq3A_333 = arith.cmpi eq, %select_n3A_227, %broadcast_in_dim3A_94 : vector<16xi32>
      %eq3A_334 = arith.cmpi eq, %select_n3A_224, %broadcast_in_dim3A_94 : vector<16xi32>
      %or3A_335 = arith.ori %eq3A_333, %eq3A_334 : vector<16xi1>
      %convert_element_type3A_336 = arith.extui %or3A_335 : vector<16xi1> to vector<16xi32>
      %convert_element_type3A_337 = arith.sitofp %convert_element_type3A_336 : vector<16xi32> to vector<16xf32>
      %swap3A_338 = arith.constant 10 : i32
      %swap3A_339 = arith.index_cast %swap3A_338 : i32 to index
      %swap3A_340 = arith.index_cast %mul3A_10 : i32 to index
      %swap3A_341 = tpu.vector_load %arg9[%swap3A_339, %swap3A_340] {strides = array<i32>} : memref<16x512xf32, #tpu.memory_space<vmem>>, vector<16xf32>,
      tpu.vector_store %arg9[%swap3A_339, %swap3A_340], %convert_element_type3A_337 {strides = array<i32>} : memref<16x512xf32, #tpu.memory_space<vmem>>, vector<16xf32>,
      %eq3A_342 = arith.cmpi eq, %select_n3A_227, %broadcast_in_dim3A_96 : vector<16xi32>
      %eq3A_343 = arith.cmpi eq, %select_n3A_224, %broadcast_in_dim3A_96 : vector<16xi32>
      %or3A_344 = arith.ori %eq3A_342, %eq3A_343 : vector<16xi1>
      %convert_element_type3A_345 = arith.extui %or3A_344 : vector<16xi1> to vector<16xi32>
      %convert_element_type3A_346 = arith.sitofp %convert_element_type3A_345 : vector<16xi32> to vector<16xf32>
      %swap3A_347 = arith.constant 11 : i32
      %swap3A_348 = arith.index_cast %swap3A_347 : i32 to index
      %swap3A_349 = arith.index_cast %mul3A_10 : i32 to index
      %swap3A_350 = tpu.vector_load %arg9[%swap3A_348, %swap3A_349] {strides = array<i32>} : memref<16x512xf32, #tpu.memory_space<vmem>>, vector<16xf32>,
      tpu.vector_store %arg9[%swap3A_348, %swap3A_349], %convert_element_type3A_346 {strides = array<i32>} : memref<16x512xf32, #tpu.memory_space<vmem>>, vector<16xf32>,
      %eq3A_351 = arith.cmpi eq, %select_n3A_227, %broadcast_in_dim3A_98 : vector<16xi32>
      %eq3A_352 = arith.cmpi eq, %select_n3A_224, %broadcast_in_dim3A_98 : vector<16xi32>
      %or3A_353 = arith.ori %eq3A_351, %eq3A_352 : vector<16xi1>
      %convert_element_type3A_354 = arith.extui %or3A_353 : vector<16xi1> to vector<16xi32>
      %convert_element_type3A_355 = arith.sitofp %convert_element_type3A_354 : vector<16xi32> to vector<16xf32>
      %swap3A_356 = arith.constant 12 : i32
      %swap3A_357 = arith.index_cast %swap3A_356 : i32 to index
      %swap3A_358 = arith.index_cast %mul3A_10 : i32 to index
      %swap3A_359 = tpu.vector_load %arg9[%swap3A_357, %swap3A_358] {strides = array<i32>} : memref<16x512xf32, #tpu.memory_space<vmem>>, vector<16xf32>,
      tpu.vector_store %arg9[%swap3A_357, %swap3A_358], %convert_element_type3A_355 {strides = array<i32>} : memref<16x512xf32, #tpu.memory_space<vmem>>, vector<16xf32>,
      %eq3A_360 = arith.cmpi eq, %select_n3A_227, %broadcast_in_dim3A_100 : vector<16xi32>
      %eq3A_361 = arith.cmpi eq, %select_n3A_224, %broadcast_in_dim3A_100 : vector<16xi32>
      %or3A_362 = arith.ori %eq3A_360, %eq3A_361 : vector<16xi1>
      %convert_element_type3A_363 = arith.extui %or3A_362 : vector<16xi1> to vector<16xi32>
      %convert_element_type3A_364 = arith.sitofp %convert_element_type3A_363 : vector<16xi32> to vector<16xf32>
      %swap3A_365 = arith.constant 13 : i32
      %swap3A_366 = arith.index_cast %swap3A_365 : i32 to index
      %swap3A_367 = arith.index_cast %mul3A_10 : i32 to index
      %swap3A_368 = tpu.vector_load %arg9[%swap3A_366, %swap3A_367] {strides = array<i32>} : memref<16x512xf32, #tpu.memory_space<vmem>>, vector<16xf32>,
      tpu.vector_store %arg9[%swap3A_366, %swap3A_367], %convert_element_type3A_364 {strides = array<i32>} : memref<16x512xf32, #tpu.memory_space<vmem>>, vector<16xf32>,
      %eq3A_369 = arith.cmpi eq, %select_n3A_227, %broadcast_in_dim3A_102 : vector<16xi32>
      %eq3A_370 = arith.cmpi eq, %select_n3A_224, %broadcast_in_dim3A_102 : vector<16xi32>
      %or3A_371 = arith.ori %eq3A_369, %eq3A_370 : vector<16xi1>
      %convert_element_type3A_372 = arith.extui %or3A_371 : vector<16xi1> to vector<16xi32>
      %convert_element_type3A_373 = arith.sitofp %convert_element_type3A_372 : vector<16xi32> to vector<16xf32>
      %swap3A_374 = arith.constant 14 : i32
      %swap3A_375 = arith.index_cast %swap3A_374 : i32 to index
      %swap3A_376 = arith.index_cast %mul3A_10 : i32 to index
      %swap3A_377 = tpu.vector_load %arg9[%swap3A_375, %swap3A_376] {strides = array<i32>} : memref<16x512xf32, #tpu.memory_space<vmem>>, vector<16xf32>,
      tpu.vector_store %arg9[%swap3A_375, %swap3A_376], %convert_element_type3A_373 {strides = array<i32>} : memref<16x512xf32, #tpu.memory_space<vmem>>, vector<16xf32>,
      %eq3A_378 = arith.cmpi eq, %select_n3A_227, %broadcast_in_dim3A_104 : vector<16xi32>
      %eq3A_379 = arith.cmpi eq, %select_n3A_224, %broadcast_in_dim3A_104 : vector<16xi32>
      %or3A_380 = arith.ori %eq3A_378, %eq3A_379 : vector<16xi1>
      %convert_element_type3A_381 = arith.extui %or3A_380 : vector<16xi1> to vector<16xi32>
      %convert_element_type3A_382 = arith.sitofp %convert_element_type3A_381 : vector<16xi32> to vector<16xf32>
      %swap3A_383 = arith.constant 15 : i32
      %swap3A_384 = arith.index_cast %swap3A_383 : i32 to index
      %swap3A_385 = arith.index_cast %mul3A_10 : i32 to index
      %swap3A_386 = tpu.vector_load %arg9[%swap3A_384, %swap3A_385] {strides = array<i32>} : memref<16x512xf32, #tpu.memory_space<vmem>>, vector<16xf32>,
      tpu.vector_store %arg9[%swap3A_384, %swap3A_385], %convert_element_type3A_382 {strides = array<i32>} : memref<16x512xf32, #tpu.memory_space<vmem>>, vector<16xf32>,
    }
    %scan3A_7 = arith.constant 32 : i32
    "tpu.region"() ({
      %run_scoped3A = tpu.sem_alloc : memref<!tpu.dma_semaphore, #tpu.memory_space<semaphore_mem>>
      %dma_start3A = arith.constant 0 : i32
      %dma_start3A_8 = tpu.memref_slice %arg3[%dma_start3A, %mul3A_2] : memref<2x16384xf32, #tpu.memory_space<hbm>> -> memref<2x512xf32, #tpu.memory_space<hbm>>
      %dma_start3A_9 = arith.constant 0 : i32
      %dma_start3A_10 = tpu.memref_slice %arg3[%dma_start3A_9, %mul3A_2] : memref<2x16384xf32, #tpu.memory_space<hbm>> -> memref<2x512xf32, #tpu.memory_space<hbm>>
      tpu.enqueue_dma source(%arg7 : memref<2x512xf32, #tpu.memory_space<vmem>>) target(%dma_start3A_10 : memref<2x512xf32, #tpu.memory_space<hbm>>) target_semaphore(%run_scoped3A : memref<!tpu.dma_semaphore, #tpu.memory_space<semaphore_mem>>)
      %dma_wait3A = arith.constant 0 : i32
      %dma_wait3A_11 = tpu.memref_slice %arg3[%dma_wait3A, %mul3A_2] : memref<2x16384xf32, #tpu.memory_space<hbm>> -> memref<2x512xf32, #tpu.memory_space<hbm>>
      %dma_wait3A_12 = arith.constant 0 : i32
      %dma_wait3A_13 = tpu.memref_slice %arg3[%dma_wait3A_12, %mul3A_2] : memref<2x16384xf32, #tpu.memory_space<hbm>> -> memref<2x512xf32, #tpu.memory_space<hbm>>
      tpu.wait_dma2 semaphore(%run_scoped3A : memref<!tpu.dma_semaphore, #tpu.memory_space<semaphore_mem>>) src(%arg7 : memref<2x512xf32, #tpu.memory_space<vmem>>) dst(%dma_wait3A_13 : memref<2x512xf32, #tpu.memory_space<hbm>>)
      tpu.yield
    }) : () -> ()
    "tpu.region"() ({
      %run_scoped3A = tpu.sem_alloc : memref<!tpu.dma_semaphore, #tpu.memory_space<semaphore_mem>>
      %dma_start3A = arith.constant 0 : i32
      %dma_start3A_8 = tpu.memref_slice %arg4[%dma_start3A, %mul3A_2] : memref<2x16384xi32, #tpu.memory_space<hbm>> -> memref<2x512xi32, #tpu.memory_space<hbm>>
      %dma_start3A_9 = arith.constant 0 : i32
      %dma_start3A_10 = tpu.memref_slice %arg4[%dma_start3A_9, %mul3A_2] : memref<2x16384xi32, #tpu.memory_space<hbm>> -> memref<2x512xi32, #tpu.memory_space<hbm>>
      tpu.enqueue_dma source(%arg8 : memref<2x512xi32, #tpu.memory_space<vmem>>) target(%dma_start3A_10 : memref<2x512xi32, #tpu.memory_space<hbm>>) target_semaphore(%run_scoped3A : memref<!tpu.dma_semaphore, #tpu.memory_space<semaphore_mem>>)
      %dma_wait3A = arith.constant 0 : i32
      %dma_wait3A_11 = tpu.memref_slice %arg4[%dma_wait3A, %mul3A_2] : memref<2x16384xi32, #tpu.memory_space<hbm>> -> memref<2x512xi32, #tpu.memory_space<hbm>>
      %dma_wait3A_12 = arith.constant 0 : i32
      %dma_wait3A_13 = tpu.memref_slice %arg4[%dma_wait3A_12, %mul3A_2] : memref<2x16384xi32, #tpu.memory_space<hbm>> -> memref<2x512xi32, #tpu.memory_space<hbm>>
      tpu.wait_dma2 semaphore(%run_scoped3A : memref<!tpu.dma_semaphore, #tpu.memory_space<semaphore_mem>>) src(%arg8 : memref<2x512xi32, #tpu.memory_space<vmem>>) dst(%dma_wait3A_13 : memref<2x512xi32, #tpu.memory_space<hbm>>)
      tpu.yield
    }) : () -> ()
    "tpu.region"() ({
      %run_scoped3A = tpu.sem_alloc : memref<!tpu.dma_semaphore, #tpu.memory_space<semaphore_mem>>
      %dma_start3A = arith.constant 0 : i32
      %dma_start3A_8 = tpu.memref_slice %arg5[%dma_start3A, %mul3A_2] : memref<16x16384xf32, #tpu.memory_space<hbm>> -> memref<16x512xf32, #tpu.memory_space<hbm>>
      %dma_start3A_9 = arith.constant 0 : i32
      %dma_start3A_10 = tpu.memref_slice %arg5[%dma_start3A_9, %mul3A_2] : memref<16x16384xf32, #tpu.memory_space<hbm>> -> memref<16x512xf32, #tpu.memory_space<hbm>>
      tpu.enqueue_dma source(%arg9 : memref<16x512xf32, #tpu.memory_space<vmem>>) target(%dma_start3A_10 : memref<16x512xf32, #tpu.memory_space<hbm>>) target_semaphore(%run_scoped3A : memref<!tpu.dma_semaphore, #tpu.memory_space<semaphore_mem>>)
      %dma_wait3A = arith.constant 0 : i32
      %dma_wait3A_11 = tpu.memref_slice %arg5[%dma_wait3A, %mul3A_2] : memref<16x16384xf32, #tpu.memory_space<hbm>> -> memref<16x512xf32, #tpu.memory_space<hbm>>
      %dma_wait3A_12 = arith.constant 0 : i32
      %dma_wait3A_13 = tpu.memref_slice %arg5[%dma_wait3A_12, %mul3A_2] : memref<16x16384xf32, #tpu.memory_space<hbm>> -> memref<16x512xf32, #tpu.memory_space<hbm>>
      tpu.wait_dma2 semaphore(%run_scoped3A : memref<!tpu.dma_semaphore, #tpu.memory_space<semaphore_mem>>) src(%arg9 : memref<16x512xf32, #tpu.memory_space<vmem>>) dst(%dma_wait3A_13 : memref<16x512xf32, #tpu.memory_space<hbm>>)
      tpu.yield
    }) : () -> ()
    return
  }
}

module attributes {stable_mosaic.version = 14 : i64} {
  func.func @_softmax_t_body(%arg0: i32, %arg1: memref<1024x2048xf32, #tpu.memory_space<vmem>>, %arg2: memref<16x2048xf32, #tpu.memory_space<vmem>>, %arg3: memref<16x1xf32, #tpu.memory_space<vmem>>, %arg4: memref<16x1024xf32, #tpu.memory_space<vmem>>) attributes {dimension_semantics = [#tpu.dimension_semantics<arbitrary>], iteration_bounds = array<i64: 16>, scalar_prefetch = 0 : i64, scratch_operands = 0 : i64, tpu.core_type = #tpu.core_type<tc>, window_params = [{transform_indices = @transform_0, window_bounds = array<i64: 1024, 2048>}, {pipeline_mode = #tpu.pipeline_mode<synchronous>, transform_indices = @transform_1, window_bounds = array<i64: 16, 2048>}, {pipeline_mode = #tpu.pipeline_mode<synchronous>, transform_indices = @transform_2, window_bounds = array<i64: 16, 1>}, {transform_indices = @transform_3, window_bounds = array<i64: 16, 1024>}]} {
    %get3A = arith.constant 0 : index
    %get3A_0 = arith.constant 0 : index
    %get3A_1 = vector.load %arg2[%get3A, %get3A_0] : memref<16x2048xf32, #tpu.memory_space<vmem>>, vector<16x2048xf32>
    %get3A_2 = arith.constant 0 : index
    %get3A_3 = arith.constant 0 : index
    %get3A_4 = vector.load %arg1[%get3A_2, %get3A_3] : memref<1024x2048xf32, #tpu.memory_space<vmem>>, vector<1024x2048xf32>
    %dot_general3A = arith.constant dense<0.000000e+00> : vector<16x1024xf32>
    %dot_general3A_5 = tpu.matmul %get3A_1, %get3A_4, %dot_general3A {dimension_numbers = #tpu.dot_dimension_numbers<[1], [1], [0], [0], [0, 0, 1, 0], [], []>, transpose_lhs_hint = false} : vector<16x2048xf32>, vector<1024x2048xf32>, vector<16x1024xf32> -> vector<16x1024xf32>
    %get3A_6 = arith.constant 0 : index
    %get3A_7 = arith.constant 0 : index
    %get3A_8 = vector.load %arg3[%get3A_6, %get3A_7] : memref<16x1xf32, #tpu.memory_space<vmem>>, vector<16x1xf32>
    %add3A = vector.broadcast %get3A_8 : vector<16x1xf32> to vector<16x1024xf32>
    %add3A_9 = arith.addf %dot_general3A_5, %add3A : vector<16x1024xf32>
    %reduce_max3A = arith.constant dense<0xFF800000> : vector<1024xf32>
    %reduce_max3A_10 = vector.multi_reduction <maximumf>, %add3A_9, %reduce_max3A [0] : vector<16x1024xf32> to vector<1024xf32>
    %broadcast_in_dim3A = vector.shape_cast %reduce_max3A_10 : vector<1024xf32> to vector<1x1024xf32>
    %sub3A = vector.broadcast %broadcast_in_dim3A : vector<1x1024xf32> to vector<16x1024xf32>
    %sub3A_11 = arith.subf %add3A_9, %sub3A : vector<16x1024xf32>
    %exp3A = math.exp %sub3A_11 : vector<16x1024xf32>
    %reduce_sum3A = arith.constant dense<0.000000e+00> : vector<1024xf32>
    %reduce_sum3A_12 = vector.multi_reduction <add>, %exp3A, %reduce_sum3A [0] : vector<16x1024xf32> to vector<1024xf32>
    %broadcast_in_dim3A_13 = vector.shape_cast %reduce_sum3A_12 : vector<1024xf32> to vector<1x1024xf32>
    %div3A = vector.broadcast %broadcast_in_dim3A_13 : vector<1x1024xf32> to vector<16x1024xf32>
    %div3A_14 = arith.divf %exp3A, %div3A : vector<16x1024xf32>
    %swap3A = arith.constant 0 : index
    %swap3A_15 = arith.constant 0 : index
    %swap3A_16 = vector.load %arg4[%swap3A, %swap3A_15] : memref<16x1024xf32, #tpu.memory_space<vmem>>, vector<16x1024xf32>
    tpu.vector_store %arg4[%swap3A, %swap3A_15], %div3A_14 {strides = array<i32>} : memref<16x1024xf32, #tpu.memory_space<vmem>>, vector<16x1024xf32>,
    return
  }
  func.func @transform_0(%arg0: i32) -> (i32, i32) {
    %c0_i32 = arith.constant 0 : i32
    %c0_i32_0 = arith.constant 0 : i32
    return %arg0, %c0_i32 : i32, i32
  }
  func.func @transform_1(%arg0: i32) -> (i32, i32) {
    %c0_i32 = arith.constant 0 : i32
    %c0_i32_0 = arith.constant 0 : i32
    %c0_i32_1 = arith.constant 0 : i32
    return %c0_i32, %c0_i32_0 : i32, i32
  }
  func.func @transform_2(%arg0: i32) -> (i32, i32) {
    %c0_i32 = arith.constant 0 : i32
    %c0_i32_0 = arith.constant 0 : i32
    %c0_i32_1 = arith.constant 0 : i32
    return %c0_i32, %c0_i32_0 : i32, i32
  }
  func.func @transform_3(%arg0: i32) -> (i32, i32) {
    %c0_i32 = arith.constant 0 : i32
    %c0_i32_0 = arith.constant 0 : i32
    return %c0_i32, %arg0 : i32, i32
  }
}

</mosaic_0001>

<sc_bundles>
// kernel: kernel.4.cloned.1.call-start
scs
__scs_entry_jumppad:
0x0: {  	(pc) =	sbr.rel $0x88, $3  }
0x1: {  	(tag) =	ssettag $0x0;
	lr =	simm.s32 $0x1  }
0x2: {  	[smem:$0x3F9E] =	sst lr;
	_ =	strace $0xD0000000  }
0x3: {  	_ = 	snop  }
0x4: {  	_ = 	snop  }
0x5: {  	_ = 	snop  }
0x6: {  	_ = 	snop  }
0x7: {  	_ = 	snop  }
__scs_overlays_trampoline_lowered:
0x8: {  	[smem:$0x3FAD] =	sst s0  }
0x9: {  	[smem:$0x3FAE] =	sst s1  }
0xa: {  	[smem:$0x3FAF] =	sst s2  }
0xb: {  	[smem:$0x3FB0] =	sst s3  }
0xc: {  	[smem:$0x3FB1] =	sst s4  }
0xd: {  	[smem:$0x3FB2] =	sst s5  }
0xe: {  	[smem:$0x3FB3] =	sst s6  }
0xf: {  	[smem:$0x3FB4] =	sst s7  }
0x10: {  	[smem:$0x3FB5] =	sst s8  }
0x11: {  	[smem:$0x3FB6] =	sst s9;
	s0 =	simm.s32 @!p0 $0x0  }
0x12: {  	s1 =	sld [smem:$0x3F9C];
	s0 =	simm.s32 @p0 $0x1  }
0x13: {  	[smem:$0x3FB7] =	sst s0;
	s0 =	simm.s32 @!p1 $0x0  }
0x14: {  	s2 =	sld [smem:$0x3F9B];
	s0 =	simm.s32 @p1 $0x1  }
0x15: {  	[smem:$0x3FB8] =	sst s0;
	s0 =	simm.s32 @!p2 $0x0  }
0x16: {  	s3 =	sld [smem:$0x3FDB];
	s0 =	simm.s32 @p2 $0x1  }
0x17: {  	s4 =	simm.s32 $0x1BF5;
	[smem:$0x3FBA] =	sst s0  }
0x18: {  	s0 =	sld [smem:$0x3F9D];
	_ =	swait.ge [sflag:s4], $0x0  }
0x19: {  	s7 =	sld [smem:$0x3F9E]  }
0x1a: {  	s8 =	sadd.s32 $0xFFFFE003, lr  }
0x1b: {  	s9 =	sadd.s32 $0xFFFFFEF7, lr;
	s5 =	simm.s32 $0xFFFFFFFF;
	p2 =	slt.u32 s8, $0xFFFFF086  }
0x1c: {  	p1 =	slt.u32 s9, $0xF7A;
	s5 =	simm.s32 @!p2 $0x0  }
0x1d: {  	s5 =	simm.s32 @p1 $0x1;
	p0 =	seq.s32 s7, s2  }
0x1e: {  	s7 =	smul.u32 @!p0 $0xF7A, s2;
	p2 =	seq.s32 @!p0 s5, $0x0  }
0x1f: {  	s9 =	smul.u32 $0xF7A, s1;
	s8 =	simm.s32 @!p0 $0x1BF5;
	p2 =	por !p2, p0  }
0x20: {  	[sflag:s8] =	ssyncset.s32 @!p0 $0xFFFFF086;
	s6 =	sadd.s32 @!p0 s3, s7;
	s7 =	simm.s32 @!p0 $0x108  }
0x21: {  	s3 =	sadd.s32 s3, s9;
	s6 =	sadd.s32 @!p0 $0x88, s6;
	s7 =	simm.s32 @p2 $0x1082  }
0x22: {  	[simem:s7], [sflag:s8] =	dma.local @!p0 [hbm:s6], $0xF7A  }
0x23: {  	s9 =	sor.u32 $0xD0000000, s2;
	s6 =	simm.s32 $0x108;
	_ =	swait.ge @!p0 [sflag:s8], $0x0  }
0x24: {  	s3 =	sadd.s32 $0x88, s3;
	s6 =	simm.s32 @!p1 $0x1082;
	[sflag:s4] =	ssyncset.s32 $0xFFFFF086  }
0x25: {  	[simem:s6], [sflag:s4] =	dma.local [hbm:s3], $0xF7A  }
0x26: {  	[smem:$0x3F9E] =	sst s1;
	(tag) =	ssettag s2;
	_ =	strace s9  }
0x27: {  	s1 =	sld [smem:$0x3FAE]  }
0x28: {  	s2 =	sld [smem:$0x3FAF]  }
0x29: {  	s4 =	sld [smem:$0x3FB1]  }
0x2a: {  	p0 =	seq.s32 s5, $0x0;
	s5 =	sld [smem:$0x3FB2]  }
0x2b: {  	s6 =	sld [smem:$0x3FB3]  }
0x2c: {  	s7 =	sld [smem:$0x3FB4]  }
0x2d: {  	s3 =	simm.s32 $0x108;
	s8 =	sld [smem:$0x3FB5]  }
0x2e: {  	s3 =	simm.s32 @!p0 $0x1082;
	s9 =	sld [smem:$0x3FB6]  }
0x2f: {  	lr =	sadd.s32 s0, s3;
	s0 =	sld [smem:$0x3FAD]  }
0x30: {  	s3 =	sld [smem:$0x3FB0]  }
0x31: {  	[smem:$0x3FB9] =	sst s10  }
0x32: {  	s10 =	sld [smem:$0x3FB7];
	_ =	sdelay $0x3  }
0x33: {  	p0 =	seq.s32 s10, $0x1;
	s10 =	sld [smem:$0x3FB9];
	_ =	sdelay $0x3  }
0x34: {  	[smem:$0x3FB9] =	sst s10  }
0x35: {  	s10 =	sld [smem:$0x3FB8];
	_ =	sdelay $0x3  }
0x36: {  	p1 =	seq.s32 s10, $0x1;
	s10 =	sld [smem:$0x3FB9];
	_ =	sdelay $0x3  }
0x37: {  	[smem:$0x3FB9] =	sst s10  }
0x38: {  	s10 =	sld [smem:$0x3FBA]  }
0x39: {  	_ = 	snop;
	(pc) =	sbr.ind lr, $3  }
0x3a: {  	_ = 	snop  }
0x3b: {  	_ = 	snop  }
0x3c: {  	p2 =	seq.s32 s10, $0x1;
	s10 =	sld [smem:$0x3FB9]  }
0x3d: {  	_ =	shalt  }
0x3e: {  	_ =	shalt  }
0x3f: {  	_ =	shalt  }
0x40: {  	_ =	shalt  }
0x41: {  	_ =	shalt  }
0x42: {  	_ =	shalt  }
0x43: {  	_ =	shalt  }
0x44: {  	_ =	shalt  }
0x45: {  	_ =	shalt  }
0x46: {  	_ =	shalt  }
0x47: {  	_ =	shalt  }
0x48: {  	_ =	shalt  }
0x49: {  	_ =	shalt  }
0x4a: {  	_ =	shalt  }
0x4b: {  	_ =	shalt  }
0x4c: {  	_ =	shalt  }
0x4d: {  	_ =	shalt  }
0x4e: {  	_ =	shalt  }
0x4f: {  	_ =	shalt  }
0x50: {  	_ =	shalt  }
0x51: {  	_ =	shalt  }
0x52: {  	_ =	shalt  }
0x53: {  	_ =	shalt  }
0x54: {  	_ =	shalt  }
0x55: {  	_ =	shalt  }
0x56: {  	_ =	shalt  }
0x57: {  	_ =	shalt  }
0x58: {  	_ =	shalt  }
0x59: {  	_ =	shalt  }
0x5a: {  	_ =	shalt  }
0x5b: {  	_ =	shalt  }
0x5c: {  	_ =	shalt  }
0x5d: {  	_ =	shalt  }
0x5e: {  	_ =	shalt  }
0x5f: {  	_ =	shalt  }
0x60: {  	_ =	shalt  }
0x61: {  	_ =	shalt  }
0x62: {  	_ =	shalt  }
0x63: {  	_ =	shalt  }
0x64: {  	_ =	shalt  }
0x65: {  	_ =	shalt  }
0x66: {  	_ =	shalt  }
0x67: {  	_ =	shalt  }
0x68: {  	_ =	shalt  }
0x69: {  	_ =	shalt  }
0x6a: {  	_ =	shalt  }
0x6b: {  	_ =	shalt  }
0x6c: {  	_ =	shalt  }
0x6d: {  	_ =	shalt  }
0x6e: {  	_ =	shalt  }
0x6f: {  	_ =	shalt  }
0x70: {  	_ =	shalt  }
0x71: {  	_ =	shalt  }
0x72: {  	_ =	shalt  }
0x73: {  	_ =	shalt  }
0x74: {  	_ =	shalt  }
0x75: {  	_ =	shalt  }
0x76: {  	_ =	shalt  }
0x77: {  	_ =	shalt  }
0x78: {  	_ =	shalt  }
0x79: {  	_ =	shalt  }
0x7a: {  	_ =	shalt  }
0x7b: {  	_ =	shalt  }
0x7c: {  	_ =	shalt  }
0x7d: {  	_ =	shalt  }
0x7e: {  	_ =	shalt  }
0x7f: {  	_ =	shalt  }
0x80: {  	_ =	shalt  }
0x81: {  	_ =	shalt  }
0x82: {  	_ =	shalt  }
0x83: {  	_ =	shalt  }
0x84: {  	_ =	shalt  }
0x85: {  	_ =	shalt  }
0x86: {  	_ =	shalt  }
0x87: {  	_ =	shalt  }
.Lfunc_end0:
.L_simem_size_0:
called_computation_lowered:
.L_overlay_start_0:
0x88: {  	s2 =	sld [smem:$0x3FD9]  }
0x89: {  	s3 =	sld [smem:$0x3FFE];
	_ =	sdelay $0x1  }
0x8a: {  	s1 =	srdreg.scid  }
0x8b: {  	s0 =	sand.u32 $0x1, s1  }
0x8c: {  	s15 =	sshll.u32 s0, $0xA;
	s2 =	sadd.s32 s3, s2  }
0x8d: {  	s2 =	sadd.s32 s2, s15  }
0x8e: {  	[smem:$0x3FC5] =	sst s2  }
0x8f: {  	_ = 	snop  }
0x90: {  	s2 =	sld [smem:$0x3FD0];
	_ =	sdelay $0x2  }
0x91: {  	s16 =	simm.s32 $0xA;
	s4 =	simm.s32 $0x10  }
0x92: {  	[smem:s4], [sflag:s16] =	dma.local [hbm:s2], $0x1  }
0x93: {  	_ =	swait.eq [sflag:s16], $0x1  }
0x94: {  	s17 =	sld [smem:$0x10]  }
0x95: {  	s18 =	sld [smem:$0x11];
	[sflag:s16] =	ssyncset.done $0x0  }
0x96: {  	s5 =	sld [smem:$0x12];
	[sflag:s16] =	ssyncadd.s32 $0xFFFFFFFF  }
0x97: {  	s19 =	sld [smem:$0x13];
	(tm) =	ssettm $0x1  }
0x98: {  	s6 =	sld [smem:$0x3FFB];
	_ =	sdelay $0x3  }
0x99: {  	_ =	strace s6  }
0x9a: {  	s6 =	sld [smem:$0x3FFC];
	_ =	sdelay $0x3  }
0x9b: {  	_ =	strace s6  }
0x9c: {  	s6 =	sld [smem:$0x3FFD];
	_ =	sdelay $0x3  }
0x9d: {  	_ =	strace s6  }
0x9e: {  	_ =	strace $0x8FFFFFFF  }
0x9f: {  	s20 =	sld [smem:$0x3FDB];
	_ =	sdelay $0x1  }
0xa0: {  	s7 =	simm.s32 $_scs_section_size  }
0xa1: {  	s8 =	simm.s32 $_size__tile_overlayer_lowered;
	s9 =	simm.s32 $_tile_overlayer_lowered  }
0xa2: {  	s23 =	simm.s32 $0x1BFF;
	s22 =	sshll.u32 s9, $0x1;
	s6 =	sadd.s32 s7, s20  }
0xa3: {  	s10 =	simm.s32 $0x0;
	s21 =	sshll.u32 s8, $0x1;
	s8 =	sadd.s32 s22, s6  }
0xa4: {  	[timem:s10], [sflag:s23] =	dma.local [hbm:s8], s21  }
0xa5: {  	_ =	swait.ge [sflag:s23], s21  }
0xa6: {  	s7 =	ssub.s32 $0x0, s21;
	[sflag:s23] =	ssyncset.done $0x0  }
0xa7: {  	[sflag:s23] =	ssyncadd.s32 s7;
	_ =	sdelay $0x1  }
0xa8: {  	s24 =	simm.s32 $0x1B8B  }
0xa9: {  	_ =	swait.ge [sflag:s24], $0x1  }
0xaa: {  	[sflag:s24] =	ssyncset.done $0x0  }
0xab: {  	s25 =	simm.s32 $0x1B8E;
	[sflag:s24] =	ssyncadd.s32 $0xFFFFFFFF  }
0xac: {  	s26 =	simm.s32 $execute0_lowered;
	[smem:$0x3FD2] =	sst s25  }
0xad: {  	s7 =	sshll.u32 s26, $0x1;
	_ =	strace $0x80000046;
	[dreg:$0x1] =	wrdreg $0xFFFFFFFF  }
0xae: {  	s28 =	simm.s32 $_size_execute0_lowered;
	s6 =	sadd.s32 s6, s7;
	[dreg:$0x0] =	wrdreg $0x0  }
0xaf: {  	s7 =	sshll.u32 s28, $0x1;
	[dreg:$0x2] =	wrdreg s6  }
0xb0: {  	[dreg:$0x3] =	wrdreg s7  }
0xb1: {  	[dreg:$0x4] =	wrdreg $0xC0  }
0xb2: {  	_ =	task [dreg:s10], $0x5FFFF  }
0xb3: {  	[dreg:$0x1] =	wrdreg $0xFFFFFFFF  }
0xb4: {  	[dreg:$0x0] =	wrdreg $0x60  }
0xb5: {  	[dreg:$0x2] =	wrdreg s19  }
0xb6: {  	[dreg:$0x3] =	wrdreg s17  }
0xb7: {  	[dreg:$0x4] =	wrdreg s18  }
0xb8: {  	[dreg:$0x5] =	wrdreg s5  }
0xb9: {  	[dreg:$0x6] =	wrdreg $0x9  }
0xba: {  	_ =	task.clear_ibuf [dreg:s10], $0x7FFFF;
	_ =	strace $0x90000046  }
0xbb: {  	s29 =	simm.s32 $0x9;
	_ =	strace $0x80000048  }
0xbc: {  	_ =	swait.ge [sflag:s29], $0x1  }
0xbd: {  	[sflag:s29] =	ssyncadd.s32 $0xFFFFFFFF  }
0xbe: {  	_ =	strace $0x90000048  }
0xbf: {  	_ =	sfence  }
0xc0: {  	s30 =	sld [smem:$0x0];
	_ =	sdelay $0x2  }
0xc1: {  	s31 =	sshll.u32 s1, $0xD;
	s1 =	sshrl.u32 s1, $0x2  }
0xc2: {  	s3 =	sand.u32 $0x4000, s31;
	s1 =	sadd.s32 s1, s30  }
0xc3: {  	s0 =	sor.u32 s3, s0;
	s1 =	sshll.u32 s1, $0x11  }
0xc4: {  	s0 =	sor.u32 s1, s0  }
0xc5: {  	s0 =	sadd.s32 $0x8F2B, s0  }
0xc6: {  	[sflag:s0] =	ssyncadd.remote.s32 $0x1  }
0xc7: {  	_ =	sfence.sel $0xFFFF  }
0xc8: {  	[dreg:$0x0] =	wrdreg $0xFFFFFFFF;
	(pc) =	sbr.abs _section_cstart, $3  }
0xc9: {  	[dreg:$0x1] =	wrdreg $0xFFFFFFFF  }
0xca: {  	_ =	task.clear_ibuf [dreg:s10], $0x2FFFF;
	_ =	strace $0x9FFFFFFF  }
0xcb: {  	(tm) =	ssettm $0x7FFFFFFF  }
tec
execute0_lowered:
.L_overlay_start_1:
0x0: {  	(tag) =	ssettag $0x1  }
0x1: {  	s3 =	rddreg [dreg:$0x0]  }
0x2: {  	s4 =	rddreg [dreg:$0x1]  }
0x3: {  	s5 =	rddreg [dreg:$0x2]  }
0x4: {  	s6 =	rddreg [dreg:$0x3]  }
0x5: {  	s0 =	rddreg [dreg:$0x4];
	s7 =	srdreg.scid  }
0x6: {  	s2 =	simm.s32 $0x0;
	s1 =	stileid.u32;
	s11 =	simm.s32 $0x2000  }
0x7: {  	s12 =	simm.s32 $0x2400;
	s13 =	simm.s32 $0x2800;
	s7 =	sand.u32 $0x1, s7  }
0x8: {  	s14 =	simm.s32 $0x0;
	s9 =	sshll.u32 s1, $0xA;
	s8 =	ssub.s32 $0x2, s7  }
0x9: {  	[smem:$0x7FF] =	sst s2;
	s7 =	sshll.u32 s7, $0x9;
	s10 =	sshrl.u32 s8, $0x1  }
0xa: {  	_ =	strace $0x80000047;
	s7 =	sor.u32 s7, s9;
	s8 =	ssub.s32 s8, s10  }
0xb: {  	s9 =	sshrl.u32 s7, $0x2;
	s3 =	sadd.s32 s3, s7;
	s6 =	sadd.s32 s6, s7  }
0xc: {  	s10 =	simm.s32 $0x1;
	s4 =	sadd.s32 s4, s9;
	s5 =	sadd.s32 s5, s9  }
0xd: {  	v0 =	vimm.s32 $0x0;
	s7 =	smax.u32 s8, $0x1;
	s8 =	simm.s32 $0x1000;
	s9 =	simm.s32 $0x20000  }
.LBB2_1:
0xe: {  	[tilespmem:s2], [sflag:$0x1] =	stream.strided.gather [hbm4b:s3+s8], $0x2000, s9, s8, $0x38;
	[tilespmem:$0x4800] =	vst v63  }
0xf: {  	_ =	swait.ge [sflag:s10], $0x2000  }
0x10: {  	s16 =	simm.s32 $0x0;
	s15 =	sand.u32 $0x70, s2;
	[sflag:s10] =	ssyncset.done $0x0  }
0x11: {  	s16 =	sor.u32 s15, s16;
	[sflag:s10] =	ssyncadd.s32 $0xFFFFE000  }
0x12: {  	v1 =	vld [tilespmem:s16+$0x0]  }
0x13: {  	v2 =	vld [tilespmem:s16+$0x80];
	_ =	sdelay $0x2  }
0x14: {  	v3 =	vld [tilespmem:s16+$0x100]  }
0x15: {  	s18 =	simm.s32 $0x0  }
0x16: {  	s17 =	sor.u32 $0x180, s18;
	vm0 =	vgt.f32 v2, v1;
	vm1 =	vgt.f32 v2, $-1.000000000e+00  }
0x17: {  	v4 =	vld [tilespmem:s17+$0x0];
	vm2 =	vmneg vm0;
	v5 =	vnsel vm1, $0xBF800000, v2  }
0x18: {  	v5 =	vsel vm2, v5, v1  }
0x19: {  	v1 =	vsel vm2, v1, v2;
	vm3 =	vgt.f32 v3, v5  }
0x1a: {  	v2 =	vld [tilespmem:s16+$0x200];
	vm4 =	vgt.f32 v3, v1;
	v5 =	vsel vm3, v3, v5  }
0x1b: {  	v5 =	vsel vm4, v1, v5  }
0x1c: {  	v1 =	vsel vm4, v3, v1;
	vm5 =	vgt.f32 v4, v5  }
0x1d: {  	v3 =	vld [tilespmem:s16+$0x280];
	vm6 =	vgt.f32 v4, v1;
	v5 =	vsel vm5, v4, v5  }
0x1e: {  	v6 =	vsel vm0, $0x1, v0;
	vm0 =	vmand vm2, vm1;
	v5 =	vsel vm6, v1, v5  }
0x1f: {  	v7 =	vsel vm0, $0x1, v0;
	v1 =	vsel vm6, v4, v1;
	vm0 =	vgt.f32 v2, v5  }
0x20: {  	v4 =	vsel vm3, $0x2, v7;
	v7 =	vld [tilespmem:s16+$0x300];
	vm1 =	vgt.f32 v2, v1;
	v5 =	vsel vm0, v2, v5  }
0x21: {  	v4 =	vsel vm4, v6, v4;
	v6 =	vsel vm4, $0x2, v6;
	v5 =	vsel vm1, v1, v5  }
0x22: {  	s22 =	sor.u32 $0x380, s18;
	v4 =	vsel vm5, $0x3, v4;
	v1 =	vsel vm1, v2, v1;
	vm2 =	vgt.f32 v3, v5  }
0x23: {  	v2 =	vsel vm6, v6, v4;
	v4 =	vld [tilespmem:s22+$0x0];
	vm3 =	vgt.f32 v3, v1;
	v5 =	vsel vm2, v3, v5  }
0x24: {  	v6 =	vsel vm6, $0x3, v6;
	v2 =	vsel vm0, $0x4, v2;
	v5 =	vsel vm3, v1, v5  }
0x25: {  	s19 =	sor.u32 $0x1000, s16;
	v8 =	vsel vm1, $0x4, v6;
	v1 =	vsel vm3, v3, v1;
	vm0 =	vgt.f32 v7, v5  }
0x26: {  	v2 =	vsel vm1, v6, v2;
	v3 =	vld [tilespmem:s19+$0x0];
	vm1 =	vgt.f32 v7, v1;
	v5 =	vsel vm0, v7, v5  }
0x27: {  	v6 =	vsel vm3, $0x5, v8;
	v2 =	vsel vm2, $0x5, v2;
	v5 =	vsel vm1, v1, v5  }
0x28: {  	s25 =	sor.u32 $0x1080, s16;
	v2 =	vsel vm3, v8, v2;
	v1 =	vsel vm1, v7, v1;
	vm2 =	vgt.f32 v4, v5  }
0x29: {  	v2 =	vsel vm0, $0x6, v2;
	v7 =	vld [tilespmem:s25+$0x0];
	vm0 =	vgt.f32 v4, v1;
	v5 =	vsel vm2, v4, v5  }
0x2a: {  	v2 =	vsel vm1, v6, v2;
	v5 =	vsel vm0, v1, v5  }
0x2b: {  	s26 =	sor.u32 $0x1100, s16;
	v6 =	vsel vm1, $0x6, v6;
	v1 =	vsel vm0, v4, v1;
	vm1 =	vgt.f32 v3, v5  }
0x2c: {  	v2 =	vsel vm2, $0x7, v2;
	v4 =	vld [tilespmem:s26+$0x0];
	vm2 =	vgt.f32 v3, v1;
	v5 =	vsel vm1, v3, v5  }
0x2d: {  	v2 =	vsel vm0, v6, v2;
	v6 =	vsel vm0, $0x7, v6;
	v5 =	vsel vm2, v1, v5  }
0x2e: {  	s23 =	sor.u32 $0x1180, s18;
	v2 =	vsel vm1, $0x8, v2;
	v1 =	vsel vm2, v3, v1;
	vm0 =	vgt.f32 v7, v5  }
0x2f: {  	v2 =	vsel vm2, v6, v2;
	v3 =	vld [tilespmem:s23+$0x0];
	vm1 =	vgt.f32 v7, v1;
	v5 =	vsel vm0, v7, v5  }
0x30: {  	v6 =	vsel vm2, $0x8, v6;
	v2 =	vsel vm0, $0x9, v2;
	v5 =	vsel vm1, v1, v5  }
0x31: {  	s28 =	sor.u32 $0x1200, s16;
	v1 =	vsel vm1, v7, v1;
	v2 =	vsel vm1, v6, v2;
	vm0 =	vgt.f32 v4, v5  }
0x32: {  	v6 =	vsel vm1, $0x9, v6;
	v7 =	vld [tilespmem:s28+$0x0];
	vm1 =	vgt.f32 v4, v1;
	v5 =	vsel vm0, v4, v5  }
0x33: {  	v2 =	vsel vm0, $0xA, v2;
	v5 =	vsel vm1, v1, v5  }
0x34: {  	s29 =	sor.u32 $0x1280, s16;
	v2 =	vsel vm1, v6, v2;
	v1 =	vsel vm1, v4, v1;
	vm0 =	vgt.f32 v3, v5  }
0x35: {  	v4 =	vsel vm1, $0xA, v6;
	v6 =	vld [tilespmem:s29+$0x0];
	vm1 =	vgt.f32 v3, v1;
	v5 =	vsel vm0, v3, v5  }
0x36: {  	v2 =	vsel vm0, $0xB, v2;
	v5 =	vsel vm1, v1, v5  }
0x37: {  	s30 =	sor.u32 $0x1300, s16;
	v2 =	vsel vm1, v4, v2;
	v1 =	vsel vm1, v3, v1;
	vm0 =	vgt.f32 v7, v5  }
0x38: {  	v3 =	vsel vm1, $0xB, v4;
	v4 =	vld [tilespmem:s30+$0x0];
	vm1 =	vgt.f32 v7, v1;
	v5 =	vsel vm0, v7, v5  }
0x39: {  	v2 =	vsel vm0, $0xC, v2;
	v5 =	vsel vm1, v1, v5  }
0x3a: {  	s26 =	sor.u32 $0x1380, s18;
	v2 =	vsel vm1, v3, v2;
	v1 =	vsel vm1, v7, v1;
	vm0 =	vgt.f32 v6, v5  }
0x3b: {  	v3 =	vsel vm1, $0xC, v3;
	v7 =	vld [tilespmem:s26+$0x0];
	vm1 =	vgt.f32 v6, v1;
	v5 =	vsel vm0, v6, v5  }
0x3c: {  	v2 =	vsel vm0, $0xD, v2;
	v5 =	vsel vm1, v1, v5  }
0x3d: {  	v2 =	vsel vm1, v3, v2;
	v1 =	vsel vm1, v6, v1;
	vm0 =	vgt.f32 v4, v5  }
0x3e: {  	v3 =	vsel vm1, $0xD, v3;
	vm1 =	vgt.f32 v4, v1;
	v5 =	vsel vm0, v4, v5  }
0x3f: {  	v2 =	vsel vm0, $0xE, v2;
	v4 =	vsel vm1, v4, v1;
	v5 =	vsel vm1, v1, v5  }
0x40: {  	v2 =	vsel vm1, v3, v2;
	v3 =	vsel vm1, $0xE, v3;
	vm0 =	vgt.f32 v7, v5  }
0x41: {  	vm1 =	vgt.f32 v7, v4;
	v1 =	vsel vm0, $0xF, v2;
	v2 =	vsel vm0, v7, v5  }
0x42: {  	v1 =	vsel vm1, v3, v1;
	v5 =	vsel vm1, v4, v2;
	v4 =	vsel vm1, v7, v4  }
0x43: {  	v2 =	vsel vm1, $0xF, v3;
	v3 =	vadd.f32 v5, v4;
	vm8 =	veq.s32 v1, $0x1  }
0x44: {  	vm0 =	veq.s32 v2, $0x0;
	vm1 =	veq.s32 v1, $0x0;
	vm9 =	veq.s32 v2, $0x1  }
0x45: {  	vm11 =	veq.s32 v1, $0xC;
	vm2 =	veq.s32 v2, $0x3;
	(erf) = vrcp.f32 v3  }
0x46: {  	vm3 =	veq.s32 v2, $0x5;
	vm4 =	veq.s32 v1, $0x4;
	vm5 =	veq.s32 v1, $0x7  }
0x47: {  	vm10 =	vmor vm0, vm1;
	vm0 =	veq.s32 v2, $0x2;
	vm1 =	veq.s32 v1, $0x2  }
0x48: {  	vm6 =	veq.s32 v1, $0xA;
	vm0 =	vmor vm0, vm1;
	vm1 =	veq.s32 v1, $0x3  }
0x49: {  	v3 =	vsel vm0, $0x3F800000, v0;
	vm0 =	vmor vm2, vm1;
	vm1 =	veq.s32 v1, $0x5  }
0x4a: {  	vm7 =	veq.s32 v2, $0x9;
	vm2 =	veq.s32 v2, $0x4;
	vm3 =	vmor vm3, vm1  }
0x4b: {  	vm1 =	vmor vm2, vm4;
	vm2 =	veq.s32 v2, $0x6;
	vm4 =	veq.s32 v1, $0x6  }
0x4c: {  	vm12 =	veq.s32 v1, $0x9;
	vm2 =	vmor vm2, vm4;
	vm4 =	veq.s32 v2, $0x7  }
0x4d: {  	s31 =	simm.s32 $0x0;
	vm13 =	veq.s32 v2, $0x8;
	vm4 =	vmor vm4, vm5;
	vm5 =	veq.s32 v2, $0xA  }
0x4e: {  	s15 =	sor.u32 s15, s31;
	vm14 =	veq.s32 v1, $0x8;
	vm5 =	vmor vm5, vm6;
	vm6 =	vmor vm7, vm12;
	v6 =	vpop (erf)  }
0x4f: {  	[tilespmem:s15+$0x2480] =	vst v1;
	vm7 =	vmor vm13, vm14;
	vm12 =	veq.s32 v2, $0xB;
	v4 =	vmul.f32 v6, v4  }
0x50: {  	[tilespmem:s15+$0x2400] =	vst v2;
	vm13 =	veq.s32 v1, $0xB;
	vm14 =	veq.s32 v2, $0xC;
	v5 =	vmul.f32 v6, v5  }
0x51: {  	s24 =	simm.s32 $0x2;
	s25 =	simm.s32 $0x10;
	vm15 =	vmor vm9, vm8;
	vm9 =	vmor vm12, vm13;
	vm8 =	vmor vm14, vm11;
	[tilespmem:s15+$0x2000] =	vst v4  }
0x52: {  	s20 =	simm.s32 $0x0;
	s21 =	simm.s32 $0x10;
	s18 =	sand.u32 $0x70, s25;
	vm11 =	veq.s32 v1, $0xD;
	[tilespmem:s15+$0x2080] =	vst v5;
	v4 =	vsel vm10, $0x3F800000, v0;
	vm10 =	veq.s32 v2, $0xD  }
0x53: {  	s19 =	simm.s32 $0x0;
	s15 =	sor.u32 s18, s20;
	s20 =	sor.u32 $0x180, s21;
	[tilespmem:s16+$0x2800] =	vst v4;
	v4 =	vsel vm15, $0x3F800000, v0;
	vm10 =	vmor vm10, vm11;
	vm11 =	veq.s32 v2, $0xF  }
.LBB2_2:
0x54: {  	p0 =	sne.s32 s24, $0x1F  }
0x55: {  	s25 =	sadd.s32 $0x10, s25;
	[tilespmem:s16+$0x2880] =	vst v4;
	vm12 =	veq.s32 v2, $0xE;
	vm13 =	veq.s32 v1, $0xE;
	s28 =	smov.u32 s24;
	s24 =	sadd.s32 $0x1, s24  }
0x56: {  	v2 =	vsel vm0, $0x3F800000, v0;
	[tilespmem:s16+$0x2900] =	vst v3;
	vm0 =	vmor vm12, vm13  }
0x57: {  	[tilespmem:s17+$0x2800] =	vst v2;
	v2 =	vsel vm3, $0x3F800000, v0;
	s17 =	smov.u32 s20  }
0x58: {  	v3 =	vsel vm1, $0x3F800000, v0;
	[tilespmem:s16+$0x2A80] =	vst v2  }
0x59: {  	v2 =	vsel vm2, $0x3F800000, v0;
	[tilespmem:s16+$0x2A00] =	vst v3  }
0x5a: {  	[tilespmem:s16+$0x2B00] =	vst v2;
	v2 =	vsel vm4, $0x3F800000, v0  }
0x5b: {  	[tilespmem:s22+$0x2800] =	vst v2;
	v2 =	vsel vm5, $0x3F800000, v0  }
0x5c: {  	v3 =	vsel vm6, $0x3F800000, v0;
	[tilespmem:s16+$0x3900] =	vst v2  }
0x5d: {  	s20 =	sshrl.u32 s28, $0x3;
	v2 =	vsel vm7, $0x3F800000, v0;
	[tilespmem:s16+$0x3880] =	vst v3  }
0x5e: {  	vm1 =	veq.s32 v1, $0xF;
	s28 =	sand.u32 $0x70, s25;
	s29 =	sshll.u32 s20, $0x8;
	s22 =	sshll.u32 s20, $0xA;
	[tilespmem:s16+$0x3800] =	vst v2;
	v2 =	vsel vm9, $0x3F800000, v0  }
0x5f: {  	v1 =	vsel vm8, $0x3F800000, v0;
	vm1 =	vmor vm11, vm1;
	s30 =	sadd.s32 s22, s25;
	s20 =	sor.u32 s28, s22;
	[tilespmem:s23+$0x2800] =	vst v2  }
0x60: {  	v2 =	vsel vm1, $0x3F800000, v0;
	[tilespmem:s16+$0x3A00] =	vst v1;
	v1 =	vsel vm10, $0x3F800000, v0  }
0x61: {  	[tilespmem:s16+$0x3A80] =	vst v1;
	v1 =	vsel vm0, $0x3F800000, v0  }
0x62: {  	[tilespmem:s16+$0x3B00] =	vst v1;
	s16 =	smov.u32 s15;
	s15 =	smov.u32 s20  }
0x63: {  	[tilespmem:s26+$0x2800] =	vst v2  }
0x64: {  	v1 =	vld [tilespmem:s16+$0x0]  }
0x65: {  	v2 =	vld [tilespmem:s16+$0x80]  }
0x66: {  	s20 =	sor.u32 $0x180, s30  }
0x67: {  	v3 =	vld [tilespmem:s16+$0x100];
	_ =	sdelay $0x2  }
0x68: {  	vm0 =	vgt.f32 v2, v1;
	vm1 =	vgt.f32 v2, $-1.000000000e+00  }
0x69: {  	v4 =	vld [tilespmem:s17+$0x0];
	vm2 =	vmneg vm0;
	v5 =	vnsel vm1, $0xBF800000, v2;
	v6 =	vsel vm0, $0x1, v0  }
0x6a: {  	vm0 =	vmand vm2, vm1;
	v5 =	vsel vm2, v5, v1;
	v1 =	vsel vm2, v1, v2  }
0x6b: {  	v2 =	vsel vm0, $0x1, v0;
	vm0 =	vgt.f32 v3, v1;
	vm1 =	vgt.f32 v3, v5  }
0x6c: {  	v7 =	vld [tilespmem:s16+$0x200];
	v2 =	vsel vm1, $0x2, v2;
	v5 =	vsel vm1, v3, v5;
	v3 =	vsel vm0, v3, v1  }
0x6d: {  	v2 =	vsel vm0, v6, v2;
	v1 =	vsel vm0, v1, v5  }
0x6e: {  	v5 =	vsel vm0, $0x2, v6;
	vm0 =	vgt.f32 v4, v1  }
0x6f: {  	vm1 =	vgt.f32 v4, v3;
	v6 =	vld [tilespmem:s16+$0x280];
	v2 =	vsel vm0, $0x3, v2;
	v1 =	vsel vm0, v4, v1  }
0x70: {  	v8 =	vsel vm1, $0x3, v5;
	v1 =	vsel vm1, v3, v1;
	v3 =	vsel vm1, v4, v3  }
0x71: {  	v2 =	vsel vm1, v5, v2;
	vm0 =	vgt.f32 v7, v1  }
0x72: {  	vm1 =	vgt.f32 v7, v3;
	v4 =	vld [tilespmem:s16+$0x300];
	v2 =	vsel vm0, $0x4, v2;
	v1 =	vsel vm0, v7, v1  }
0x73: {  	v5 =	vsel vm1, $0x4, v8;
	v1 =	vsel vm1, v3, v1;
	v3 =	vsel vm1, v7, v3  }
0x74: {  	s22 =	sor.u32 $0x380, s21;
	v2 =	vsel vm1, v8, v2;
	vm0 =	vgt.f32 v6, v1  }
0x75: {  	vm1 =	vgt.f32 v6, v3;
	v7 =	vld [tilespmem:s22+$0x0];
	v2 =	vsel vm0, $0x5, v2;
	v1 =	vsel vm0, v6, v1  }
0x76: {  	v8 =	vsel vm1, $0x5, v5;
	v1 =	vsel vm1, v3, v1;
	v3 =	vsel vm1, v6, v3  }
0x77: {  	s23 =	sor.u32 $0x1000, s16;
	v2 =	vsel vm1, v5, v2;
	vm0 =	vgt.f32 v4, v1  }
0x78: {  	vm1 =	vgt.f32 v4, v3;
	v5 =	vld [tilespmem:s23+$0x0];
	v2 =	vsel vm0, $0x6, v2;
	v1 =	vsel vm0, v4, v1  }
0x79: {  	v2 =	vsel vm1, v8, v2;
	v1 =	vsel vm1, v3, v1;
	v3 =	vsel vm1, v4, v3  }
0x7a: {  	s23 =	sor.u32 $0x1080, s16;
	v4 =	vsel vm1, $0x6, v8;
	vm0 =	vgt.f32 v7, v1  }
0x7b: {  	vm1 =	vgt.f32 v7, v3;
	v6 =	vld [tilespmem:s23+$0x0];
	v2 =	vsel vm0, $0x7, v2;
	v1 =	vsel vm0, v7, v1  }
0x7c: {  	v2 =	vsel vm1, v4, v2;
	v1 =	vsel vm1, v3, v1;
	v3 =	vsel vm1, v7, v3  }
0x7d: {  	s23 =	sor.u32 $0x1100, s16;
	v4 =	vsel vm1, $0x7, v4;
	vm0 =	vgt.f32 v5, v1  }
0x7e: {  	vm1 =	vgt.f32 v5, v3;
	v7 =	vld [tilespmem:s23+$0x0];
	v2 =	vsel vm0, $0x8, v2;
	v1 =	vsel vm0, v5, v1  }
0x7f: {  	v2 =	vsel vm1, v4, v2;
	v1 =	vsel vm1, v3, v1;
	v3 =	vsel vm1, v5, v3  }
0x80: {  	s23 =	sor.u32 $0x1180, s21;
	vm0 =	vgt.f32 v6, v1  }
0x81: {  	vm2 =	vgt.f32 v6, v3;
	v5 =	vld [tilespmem:s23+$0x0];
	v2 =	vsel vm0, $0x9, v2;
	v1 =	vsel vm0, v6, v1  }
0x82: {  	v4 =	vsel vm1, $0x8, v4;
	v1 =	vsel vm2, v3, v1;
	v3 =	vsel vm2, v6, v3  }
0x83: {  	s26 =	sor.u32 $0x1200, s16;
	v2 =	vsel vm2, v4, v2;
	v4 =	vsel vm2, $0x9, v4;
	vm0 =	vgt.f32 v7, v1  }
0x84: {  	vm1 =	vgt.f32 v7, v3;
	v6 =	vld [tilespmem:s26+$0x0];
	v2 =	vsel vm0, $0xA, v2;
	v1 =	vsel vm0, v7, v1  }
0x85: {  	v2 =	vsel vm1, v4, v2;
	v1 =	vsel vm1, v3, v1;
	v3 =	vsel vm1, v7, v3  }
0x86: {  	s26 =	sor.u32 $0x1280, s16;
	v4 =	vsel vm1, $0xA, v4;
	vm0 =	vgt.f32 v5, v1  }
0x87: {  	vm1 =	vgt.f32 v5, v3;
	v7 =	vld [tilespmem:s26+$0x0];
	v2 =	vsel vm0, $0xB, v2;
	v1 =	vsel vm0, v5, v1  }
0x88: {  	v2 =	vsel vm1, v4, v2;
	v1 =	vsel vm1, v3, v1;
	v3 =	vsel vm1, v5, v3  }
0x89: {  	s26 =	sor.u32 $0x1300, s16;
	v4 =	vsel vm1, $0xB, v4;
	vm0 =	vgt.f32 v6, v1  }
0x8a: {  	vm1 =	vgt.f32 v6, v3;
	v5 =	vld [tilespmem:s26+$0x0];
	v2 =	vsel vm0, $0xC, v2;
	v1 =	vsel vm0, v6, v1  }
0x8b: {  	v2 =	vsel vm1, v4, v2;
	v1 =	vsel vm1, v3, v1;
	v3 =	vsel vm1, v6, v3  }
0x8c: {  	s26 =	sor.u32 $0x1380, s21;
	s21 =	smov.u32 s30;
	v4 =	vsel vm1, $0xC, v4;
	vm0 =	vgt.f32 v7, v1  }
0x8d: {  	vm1 =	vgt.f32 v7, v3;
	v6 =	vld [tilespmem:s26+$0x0];
	v2 =	vsel vm0, $0xD, v2;
	v1 =	vsel vm0, v7, v1  }
0x8e: {  	v2 =	vsel vm1, v4, v2;
	v1 =	vsel vm1, v3, v1;
	v3 =	vsel vm1, v7, v3  }
0x8f: {  	v4 =	vsel vm1, $0xD, v4;
	vm0 =	vgt.f32 v5, v1  }
0x90: {  	vm1 =	vgt.f32 v5, v3;
	v2 =	vsel vm0, $0xE, v2;
	v1 =	vsel vm0, v5, v1  }
0x91: {  	v2 =	vsel vm1, v4, v2;
	v1 =	vsel vm1, v3, v1;
	v4 =	vsel vm1, $0xE, v4  }
0x92: {  	v3 =	vsel vm1, v5, v3;
	vm0 =	vgt.f32 v6, v1  }
0x93: {  	vm1 =	vgt.f32 v6, v3;
	v2 =	vsel vm0, $0xF, v2;
	v5 =	vsel vm0, v6, v1  }
0x94: {  	v6 =	vsel vm1, v6, v3;
	v1 =	vsel vm1, v4, v2;
	v5 =	vsel vm1, v3, v5  }
0x95: {  	v2 =	vsel vm1, $0xF, v4;
	v3 =	vadd.f32 v5, v6;
	vm8 =	veq.s32 v1, $0x1  }
0x96: {  	vm0 =	veq.s32 v2, $0x0;
	vm1 =	veq.s32 v1, $0x0;
	vm9 =	veq.s32 v2, $0x1  }
0x97: {  	vm11 =	veq.s32 v1, $0xC;
	vm10 =	vmor vm0, vm1;
	(erf) = vrcp.f32 v3  }
0x98: {  	vm2 =	veq.s32 v2, $0x3;
	vm0 =	veq.s32 v2, $0x2;
	vm1 =	veq.s32 v1, $0x2  }
0x99: {  	vm3 =	veq.s32 v2, $0x5;
	vm0 =	vmor vm0, vm1;
	vm1 =	veq.s32 v1, $0x3  }
0x9a: {  	v3 =	vsel vm0, $0x3F800000, v0;
	vm0 =	vmor vm2, vm1;
	vm1 =	veq.s32 v1, $0x5  }
0x9b: {  	vm4 =	veq.s32 v1, $0x4;
	vm2 =	veq.s32 v2, $0x4;
	vm3 =	vmor vm3, vm1  }
0x9c: {  	vm1 =	vmor vm2, vm4;
	vm2 =	veq.s32 v2, $0x6;
	vm4 =	veq.s32 v1, $0x6  }
0x9d: {  	vm5 =	veq.s32 v1, $0x7;
	vm2 =	vmor vm2, vm4;
	vm4 =	veq.s32 v2, $0x7  }
0x9e: {  	vm6 =	veq.s32 v1, $0xA;
	vm4 =	vmor vm4, vm5;
	vm5 =	veq.s32 v2, $0xA  }
0x9f: {  	vm7 =	veq.s32 v2, $0x9;
	vm12 =	veq.s32 v1, $0x9;
	vm5 =	vmor vm5, vm6  }
0xa0: {  	s30 =	sor.u32 s18, s19;
	s18 =	smov.u32 s28;
	s19 =	smov.u32 s29;
	vm13 =	veq.s32 v2, $0x8;
	vm14 =	veq.s32 v1, $0x8;
	vm6 =	vmor vm7, vm12;
	v4 =	vpop (erf)  }
.Ltmp0:
0xa1: {  	vm7 =	vmor vm13, vm14;
	v6 =	vmul.f32 v4, v6;
	v4 =	vmul.f32 v4, v5;
	[tilespmem:s30+$0x2480] =	vst v1;
	(pc) =	sbr.rel @p0 .LBB2_2-.Ltmp0, $4  }
0xa2: {  	vm12 =	veq.s32 v2, $0xB;
	vm13 =	veq.s32 v1, $0xB;
	vm14 =	veq.s32 v2, $0xC;
	[tilespmem:s30+$0x2400] =	vst v2  }
0xa3: {  	vm15 =	vmor vm9, vm8;
	vm9 =	vmor vm12, vm13;
	vm8 =	vmor vm14, vm11;
	[tilespmem:s30+$0x2000] =	vst v6  }
0xa4: {  	vm11 =	veq.s32 v1, $0xD;
	[tilespmem:s30+$0x2080] =	vst v4;
	v4 =	vsel vm10, $0x3F800000, v0;
	vm10 =	veq.s32 v2, $0xD  }
0xa5: {  	[tilespmem:s16+$0x2800] =	vst v4;
	v4 =	vsel vm15, $0x3F800000, v0;
	vm10 =	vmor vm10, vm11;
	vm11 =	veq.s32 v2, $0xF  }
0xa6: {  	[tilespmem:s16+$0x2880] =	vst v4  }
0xa7: {  	[tilespmem:s16+$0x2900] =	vst v3;
	v3 =	vsel vm0, $0x3F800000, v0  }
0xa8: {  	[tilespmem:s17+$0x2800] =	vst v3;
	v3 =	vsel vm3, $0x3F800000, v0  }
0xa9: {  	v49 =	vsel vm1, $0x3F800000, v0;
	[tilespmem:s16+$0x2A80] =	vst v3  }
0xaa: {  	[tilespmem:s16+$0x2A00] =	vst v49;
	v3 =	vsel vm2, $0x3F800000, v0  }
0xab: {  	[tilespmem:s16+$0x2B00] =	vst v3;
	v3 =	vsel vm4, $0x3F800000, v0  }
0xac: {  	[tilespmem:s22+$0x2800] =	vst v3;
	v3 =	vsel vm5, $0x3F800000, v0  }
0xad: {  	v50 =	vsel vm6, $0x3F800000, v0;
	[tilespmem:s16+$0x3900] =	vst v3  }
0xae: {  	v3 =	vsel vm7, $0x3F800000, v0;
	[tilespmem:s16+$0x3880] =	vst v50  }
0xaf: {  	[tilespmem:s16+$0x3800] =	vst v3;
	v3 =	vsel vm9, $0x3F800000, v0  }
0xb0: {  	vm7 =	veq.s32 v2, $0xE;
	v2 =	vsel vm8, $0x3F800000, v0;
	vm9 =	veq.s32 v1, $0xE;
	[tilespmem:s23+$0x2800] =	vst v3  }
0xb1: {  	vm12 =	veq.s32 v1, $0xF;
	v1 =	vsel vm10, $0x3F800000, v0;
	vm0 =	vmor vm7, vm9;
	[tilespmem:s16+$0x3A00] =	vst v2  }
0xb2: {  	vm1 =	vmor vm11, vm12;
	[tilespmem:s16+$0x3A80] =	vst v1;
	v1 =	vsel vm0, $0x3F800000, v0  }
0xb3: {  	v2 =	vsel vm1, $0x3F800000, v0;
	[tilespmem:s16+$0x3B00] =	vst v1  }
0xb4: {  	[tilespmem:s26+$0x2800] =	vst v2  }
0xb5: {  	v1 =	vld [tilespmem:s15+$0x0]  }
0xb6: {  	v2 =	vld [tilespmem:s15+$0x80];
	_ =	sdelay $0x2  }
0xb7: {  	v3 =	vld [tilespmem:s15+$0x100];
	_ =	sdelay $0x1  }
0xb8: {  	vm2 =	vgt.f32 v2, v1;
	vm8 =	vgt.f32 v2, $-1.000000000e+00  }
0xb9: {  	v4 =	vld [tilespmem:s20+$0x0];
	vm12 =	vmneg vm2;
	v5 =	vnsel vm8, $0xBF800000, v2  }
0xba: {  	v5 =	vsel vm12, v5, v1  }
0xbb: {  	v1 =	vsel vm12, v1, v2;
	vm11 =	vgt.f32 v3, v5  }
0xbc: {  	v2 =	vld [tilespmem:s15+$0x200];
	vm0 =	vgt.f32 v3, v1;
	v5 =	vsel vm11, v3, v5  }
0xbd: {  	v5 =	vsel vm0, v1, v5  }
0xbe: {  	v1 =	vsel vm0, v3, v1;
	vm9 =	vgt.f32 v4, v5  }
0xbf: {  	v3 =	vld [tilespmem:s15+$0x280];
	vm5 =	vgt.f32 v4, v1;
	v5 =	vsel vm9, v4, v5  }
0xc0: {  	v5 =	vsel vm5, v1, v5  }
0xc1: {  	v1 =	vsel vm5, v4, v1;
	vm10 =	vgt.f32 v2, v5  }
0xc2: {  	v51 =	vld [tilespmem:s15+$0x300];
	vm3 =	vgt.f32 v2, v1;
	v5 =	vsel vm10, v2, v5  }
0xc3: {  	v5 =	vsel vm3, v1, v5  }
0xc4: {  	s16 =	sor.u32 $0x380, s21;
	v1 =	vsel vm3, v2, v1;
	vm6 =	vgt.f32 v3, v5  }
0xc5: {  	v2 =	vld [tilespmem:s16+$0x0];
	vm13 =	vgt.f32 v3, v1;
	v5 =	vsel vm6, v3, v5  }
0xc6: {  	v5 =	vsel vm13, v1, v5  }
0xc7: {  	s23 =	sor.u32 $0x1000, s15;
	v1 =	vsel vm13, v3, v1;
	vm14 =	vgt.f32 v51, v5  }
0xc8: {  	v3 =	vld [tilespmem:s23+$0x0];
	vm15 =	vgt.f32 v51, v1;
	v5 =	vsel vm14, v51, v5  }
0xc9: {  	v6 =	vsel vm2, $0x1, v0;
	vm8 =	vmand vm12, vm8;
	v5 =	vsel vm15, v1, v5  }
0xca: {  	s24 =	sor.u32 $0x1080, s15;
	v7 =	vsel vm8, $0x1, v0;
	v1 =	vsel vm15, v51, v1;
	vm8 =	vgt.f32 v2, v5  }
0xcb: {  	v53 =	vld [tilespmem:s24+$0x0];
	v52 =	vsel vm11, $0x2, v7;
	vm2 =	vgt.f32 v2, v1;
	v5 =	vsel vm8, v2, v5  }
0xcc: {  	v4 =	vsel vm0, v6, v52;
	v6 =	vsel vm0, $0x2, v6;
	v5 =	vsel vm2, v1, v5  }
0xcd: {  	s25 =	sor.u32 $0x1100, s15;
	v4 =	vsel vm9, $0x3, v4;
	v1 =	vsel vm2, v2, v1;
	vm9 =	vgt.f32 v3, v5  }
0xce: {  	v54 =	vld [tilespmem:s25+$0x0];
	v2 =	vsel vm5, v6, v4;
	vm0 =	vgt.f32 v3, v1;
	v5 =	vsel vm9, v3, v5  }
0xcf: {  	v6 =	vsel vm5, $0x3, v6;
	v2 =	vsel vm10, $0x4, v2;
	v5 =	vsel vm0, v1, v5  }
0xd0: {  	s26 =	sor.u32 $0x1180, s21;
	v8 =	vsel vm3, $0x4, v6;
	v1 =	vsel vm0, v3, v1;
	vm10 =	vgt.f32 v53, v5  }
0xd1: {  	v2 =	vsel vm3, v6, v2;
	v3 =	vld [tilespmem:s26+$0x0];
	vm12 =	vgt.f32 v53, v1;
	v5 =	vsel vm10, v53, v5  }
0xd2: {  	v55 =	vsel vm13, $0x5, v8;
	v2 =	vsel vm6, $0x5, v2;
	v5 =	vsel vm12, v1, v5  }
0xd3: {  	s28 =	sor.u32 $0x1200, s15;
	v2 =	vsel vm13, v8, v2;
	v1 =	vsel vm12, v53, v1;
	vm13 =	vgt.f32 v54, v5  }
0xd4: {  	v56 =	vld [tilespmem:s28+$0x0];
	v2 =	vsel vm14, $0x6, v2;
	vm14 =	vgt.f32 v54, v1;
	v5 =	vsel vm13, v54, v5  }
0xd5: {  	v6 =	vsel vm15, $0x6, v55;
	v5 =	vsel vm14, v1, v5  }
0xd6: {  	s29 =	sor.u32 $0x1280, s15;
	v2 =	vsel vm15, v55, v2;
	v1 =	vsel vm14, v54, v1;
	vm15 =	vgt.f32 v3, v5  }
0xd7: {  	v57 =	vld [tilespmem:s29+$0x0];
	v2 =	vsel vm8, $0x7, v2;
	vm1 =	vgt.f32 v3, v1;
	v5 =	vsel vm15, v3, v5  }
0xd8: {  	v2 =	vsel vm2, v6, v2;
	v5 =	vsel vm1, v1, v5  }
0xd9: {  	s30 =	sor.u32 $0x1300, s15;
	v6 =	vsel vm2, $0x7, v6;
	v1 =	vsel vm1, v3, v1;
	vm2 =	vgt.f32 v56, v5  }
0xda: {  	v2 =	vsel vm9, $0x8, v2;
	v3 =	vld [tilespmem:s30+$0x0];
	vm7 =	vgt.f32 v56, v1;
	v5 =	vsel vm2, v56, v5  }
0xdb: {  	v2 =	vsel vm0, v6, v2;
	v5 =	vsel vm7, v1, v5  }
0xdc: {  	s31 =	sor.u32 $0x1380, s21;
	v6 =	vsel vm0, $0x8, v6;
	v1 =	vsel vm7, v56, v1;
	vm8 =	vgt.f32 v57, v5  }
0xdd: {  	v58 =	vld [tilespmem:s31+$0x0];
	v2 =	vsel vm10, $0x9, v2;
	vm11 =	vgt.f32 v57, v1;
	v5 =	vsel vm8, v57, v5  }
0xde: {  	v2 =	vsel vm12, v6, v2;
	v5 =	vsel vm11, v1, v5  }
0xdf: {  	v6 =	vsel vm12, $0x9, v6;
	v1 =	vsel vm11, v57, v1;
	vm12 =	vgt.f32 v3, v5  }
0xe0: {  	v2 =	vsel vm13, $0xA, v2;
	vm13 =	vgt.f32 v3, v1;
	v59 =	vsel vm12, v3, v5  }
0xe1: {  	v60 =	vsel vm14, $0xA, v6;
	v4 =	vsel vm13, v1, v59  }
0xe2: {  	v2 =	vsel vm14, v6, v2;
	v1 =	vsel vm13, v3, v1;
	vm14 =	vgt.f32 v58, v4  }
0xe3: {  	v2 =	vsel vm15, $0xB, v2;
	vm15 =	vgt.f32 v58, v1;
	v3 =	vsel vm14, v58, v4  }
0xe4: {  	v2 =	vsel vm1, v60, v2;
	v3 =	vsel vm15, v1, v3;
	v1 =	vsel vm15, v58, v1  }
0xe5: {  	v61 =	vsel vm1, $0xB, v60;
	v2 =	vsel vm2, $0xC, v2;
	v62 =	vadd.f32 v3, v1  }
0xe6: {  	v2 =	vsel vm7, v61, v2  }
0xe7: {  	v2 =	vsel vm8, $0xD, v2;
	v4 =	vsel vm7, $0xC, v61;
	(erf) = vrcp.f32 v62  }
0xe8: {  	v2 =	vsel vm11, v4, v2  }
0xe9: {  	v4 =	vsel vm11, $0xD, v4;
	v2 =	vsel vm12, $0xE, v2  }
0xea: {  	v2 =	vsel vm13, v4, v2  }
0xeb: {  	v4 =	vsel vm13, $0xE, v4;
	v2 =	vsel vm14, $0xF, v2  }
0xec: {  	v2 =	vsel vm15, v4, v2;
	v4 =	vsel vm15, $0xF, v4  }
0xed: {  	vm1 =	veq.s32 v2, $0x1;
	vm9 =	veq.s32 v4, $0x0;
	vm10 =	veq.s32 v2, $0x0  }
0xee: {  	vm3 =	veq.s32 v4, $0x1;
	vm0 =	veq.s32 v2, $0xC;
	vm11 =	veq.s32 v4, $0x2  }
0xef: {  	vm12 =	veq.s32 v2, $0x2;
	vm6 =	veq.s32 v4, $0x3;
	vm13 =	veq.s32 v2, $0x3  }
0xf0: {  	s18 =	sor.u32 s18, s19;
	vm14 =	veq.s32 v4, $0x5;
	vm15 =	veq.s32 v2, $0x5;
	vm8 =	veq.s32 v2, $0xD;
	v5 =	vpop (erf)  }
0xf1: {  	[tilespmem:s18+$0x2480] =	vst v2;
	vm2 =	vmor vm9, vm10;
	vm4 =	vmor vm11, vm12;
	v1 =	vmul.f32 v5, v1  }
0xf2: {  	[tilespmem:s18+$0x2400] =	vst v4;
	vm12 =	veq.s32 v4, $0x4;
	vm5 =	vmor vm14, vm15;
	v3 =	vmul.f32 v5, v3  }
0xf3: {  	vm14 =	veq.s32 v4, $0x6;
	vm15 =	veq.s32 v2, $0x6;
	vm1 =	vmor vm3, vm1;
	[tilespmem:s18+$0x2000] =	vst v1  }
0xf4: {  	vm10 =	veq.s32 v4, $0x7;
	vm11 =	veq.s32 v2, $0x7;
	[tilespmem:s18+$0x2080] =	vst v3;
	v1 =	vsel vm2, $0x3F800000, v0  }
0xf5: {  	v63 =	vsel vm4, $0x3F800000, v0;
	vm4 =	vmor vm6, vm13;
	vm13 =	veq.s32 v2, $0x4;
	[tilespmem:s15+$0x2800] =	vst v1  }
0xf6: {  	vm6 =	vmor vm14, vm15;
	vm14 =	veq.s32 v4, $0x9;
	v1 =	vsel vm1, $0x3F800000, v0;
	[tilespmem:s15+$0x2900] =	vst v63  }
0xf7: {  	vm15 =	veq.s32 v2, $0x9;
	vm2 =	vmor vm10, vm11;
	[tilespmem:s15+$0x2880] =	vst v1;
	v1 =	vsel vm4, $0x3F800000, v0  }
0xf8: {  	vm10 =	veq.s32 v4, $0x8;
	vm1 =	vmor vm12, vm13;
	[tilespmem:s20+$0x2800] =	vst v1;
	v1 =	vsel vm5, $0x3F800000, v0  }
0xf9: {  	vm12 =	veq.s32 v4, $0xA;
	vm13 =	veq.s32 v2, $0xA;
	v3 =	vsel vm1, $0x3F800000, v0;
	[tilespmem:s15+$0x2A80] =	vst v1  }
0xfa: {  	vm11 =	veq.s32 v2, $0x8;
	vm3 =	vmor vm12, vm13;
	[tilespmem:s15+$0x2A00] =	vst v3;
	v1 =	vsel vm6, $0x3F800000, v0  }
0xfb: {  	vm4 =	vmor vm14, vm15;
	vm1 =	vmor vm10, vm11;
	[tilespmem:s15+$0x2B00] =	vst v1;
	v1 =	vsel vm2, $0x3F800000, v0  }
0xfc: {  	vm12 =	veq.s32 v4, $0xB;
	vm13 =	veq.s32 v2, $0xB;
	[tilespmem:s16+$0x2800] =	vst v1;
	v1 =	vsel vm3, $0x3F800000, v0  }
0xfd: {  	vm14 =	veq.s32 v4, $0xC;
	vm15 =	veq.s32 v4, $0xD;
	v3 =	vsel vm4, $0x3F800000, v0;
	[tilespmem:s15+$0x3900] =	vst v1  }
0xfe: {  	vm10 =	veq.s32 v4, $0xF;
	vm2 =	vmor vm12, vm13;
	v1 =	vsel vm1, $0x3F800000, v0;
	[tilespmem:s15+$0x3880] =	vst v3  }
0xff: {  	vm11 =	veq.s32 v4, $0xE;
	vm0 =	vmor vm14, vm0;
	[tilespmem:s15+$0x3800] =	vst v1;
	v1 =	vsel vm2, $0x3F800000, v0  }
0x100: {  	vm9 =	vmor vm15, vm8;
	vm12 =	veq.s32 v2, $0xE;
	[tilespmem:s26+$0x2800] =	vst v1;
	v1 =	vsel vm0, $0x3F800000, v0  }
0x101: {  	vm14 =	veq.s32 v2, $0xF;
	vm13 =	vmor vm11, vm12;
	[tilespmem:s15+$0x3A00] =	vst v1;
	v1 =	vsel vm9, $0x3F800000, v0  }
0x102: {  	vm15 =	vmor vm10, vm14;
	[tilespmem:s15+$0x3A80] =	vst v1;
	v1 =	vsel vm13, $0x3F800000, v0  }
0x103: {  	v2 =	vsel vm15, $0x3F800000, v0;
	[tilespmem:s15+$0x3B00] =	vst v1  }
0x104: {  	[tilespmem:s31+$0x2800] =	vst v2  }
0x105: {  	[hbm4b:s4+s2] =	stream.linear.scatter [tilespmem:s11], [sflag:$0x1], $0x400, $0x38;
	[tilespmem:$0x4800] =	vst v63  }
0x106: {  	_ =	swait.ge [sflag:s10], $0x400  }
0x107: {  	[sflag:s10] =	ssyncset.done $0x0  }
0x108: {  	[sflag:s10] =	ssyncadd.s32 $0xFFFFFC00  }
0x109: {  	[hbm4b:s5+s2] =	stream.linear.scatter [tilespmem:s12], [sflag:$0x1], $0x400, $0x38;
	[tilespmem:$0x4800] =	vst v63  }
0x10a: {  	s14 =	sadd.s32 $0x1, s14;
	_ =	swait.ge [sflag:s10], $0x400  }
0x10b: {  	p0 =	sne.s32 s14, s7;
	[sflag:s10] =	ssyncset.done $0x0  }
.Ltmp1:
0x10c: {  	[sflag:s10] =	ssyncadd.s32 $0xFFFFFC00;
	(pc) =	sbr.rel @p0 .LBB2_1-.Ltmp1, $4  }
0x10d: {  	[hbm4b:s6+s8] =	stream.strided.scatter [tilespmem:s13], [sflag:$0x1], $0x2000, s9, s8, $0x38;
	[tilespmem:$0x4800] =	vst v63  }
0x10e: {  	_ =	swait.ge [sflag:s10], $0x2000  }
0x10f: {  	[sflag:s10] =	ssyncset.done $0x0  }
0x110: {  	[sflag:s10] =	ssyncadd.s32 $0xFFFFE000  }
0x111: {  	_ =	sfence.sel $0x180000  }
0x112: {  	[bflag:$0x0] =	sbarrier.arrive $0xFFFF  }
0x113: {  	p0 =	sne.s32 s1, $0x0;
	_ =	strace $0x90000047  }
0x114: {  	s0 =	sadd.s32 @!p0 $0x100000, s0;
	[bflag:$0x2] =	sbarrier.arrive $0xFFFF  }
0x115: {  	[sflag:s0] =	ssyncadd.tile.s32 @!p0 $0x1;
	_ =	shalt  }
.Lfunc_end2:
_tile_overlayer_lowered:
.L_overlay_start_2:
0x116: {  	(tag) =	ssettag $0x2  }
0x117: {  	s0 =	rddreg [dreg:$0x0];
	s2 =	stileid.u32  }
0x118: {  	s1 =	rddreg [dreg:$0x1];
	p0 =	sne.s32 s2, $0x0  }
0x119: {  	s3 =	rddreg [dreg:$0x2];
	[bflag:$0x3] =	sbarrier.arrive $0xFFFF;
	s2 =	simm.s32 @!p0 $0x1C01  }
0x11a: {  	[timem:s3], [sflag:s2] =	dma.local @!p0 [hbm:s0], s1  }
0x11b: {  	s0 =	simm.s32 @!p0 $0x1  }
0x11c: {  	_ =	swait.ge @!p0 [sflag:s0], s1  }
0x11d: {  	s1 =	ssub.s32 @!p0 $0x0, s1;
	[sflag:s0] =	ssyncset.done @!p0 $0x0  }
0x11e: {  	[sflag:s0] =	ssyncadd.s32 @!p0 s1  }
0x11f: {  	[bflag:$0x3] =	sbarrier.arrive $0xFFFF  }
0x120: {  	_ =	shalt  }

</sc_bundles>
